<compile_context>
chip_gen: v7x
topology: tpu7x:2x2x1
jax: 0.10.2.dev20260603
libtpu: 0.0.44.dev20260713+nightly
codegen_flags: <defaults>
</compile_context>

<pallas_src>
import jax
import jax.numpy as jnp
from jax import lax
from jax.experimental import pallas as pl
from jax.experimental.pallas import tpu as pltpu
from jax.experimental.pallas import tpu_sc as plsc

VOCAB = 100000
EMBED = 128
BATCH = 16384

NC = 2
NS = 16
L = 16
NW = NC * NS
BPW = BATCH // NW
CHUNK = 64
NCHUNK = BPW // CHUNK


NBUF = 4


def _sc_body(center_hbm, target_hbm, co_hbm, w_hbm, ev_hbm, eu_hbm,
             vb_hbm, ub_hbm, out_hbm,
             idx_c, idx_t, co_v, w_v,
             rv0, rv1, rv2, rv3, ru0, ru1, ru2, ru3, bc_all, bt_all,
             acc_v, sem0, sem1, sem2, sem3, bsem, ssem):
    wid = lax.axis_index("s") * NC + lax.axis_index("c")
    base = wid * BPW

    cpi = pltpu.async_copy(center_hbm.at[pl.ds(base, BPW)], idx_c, ssem)
    cpt = pltpu.async_copy(target_hbm.at[pl.ds(base, BPW)], idx_t, ssem)
    cpi.wait()
    cpt.wait()

    rv = (rv0, rv1, rv2, rv3)
    ru = (ru0, ru1, ru2, ru3)
    sems = (sem0, sem1, sem2, sem3)

    def start_chunk(c):
        b = c % NBUF
        ic = idx_c.at[pl.ds(c * CHUNK, CHUNK)]
        it = idx_t.at[pl.ds(c * CHUNK, CHUNK)]
        return (
            pltpu.async_copy(ev_hbm.at[ic], rv[b], sems[b]),
            pltpu.async_copy(eu_hbm.at[it], ru[b], sems[b]),
        )

    inflight = [start_chunk(c) for c in range(NBUF)]

    bias_cps = (
        pltpu.async_copy(vb_hbm.at[idx_c], bc_all, bsem),
        pltpu.async_copy(ub_hbm.at[idx_t], bt_all, bsem),
    )
    scalar_cps = (
        pltpu.async_copy(co_hbm.at[pl.ds(base, BPW)], co_v, ssem),
        pltpu.async_copy(w_hbm.at[pl.ds(base, BPW)], w_v, ssem),
    )

    iota = lax.iota(jnp.int32, L)

    def compute_chunk(c, loss_acc):
        b = c % NBUF

        def group_body(g, acc_in):
            rows = g * L + iota
            z = jnp.zeros((L,), jnp.float32)

            def k_body(k, accs):
                a0, a1 = accs
                rot = jnp.bitwise_and(iota + k, L - 1)
                for blk in range(EMBED // L):
                    col = rot + (blk * L)
                    x = plsc.load_gather(rv[b], [rows, col])
                    y = plsc.load_gather(ru[b], [rows, col])
                    if blk % 2 == 0:
                        a0 = a0 + x * y
                    else:
                        a1 = a1 + x * y
                return (a0, a1)

            a0, a1 = lax.fori_loop(0, L, k_body, (z, z))
            ip = a0 + a1
            gl = g * L
            off = c * CHUNK + gl
            cb = bc_all[pl.ds(off, L)]
            tb = bt_all[pl.ds(off, L)]
            cg = co_v[pl.ds(off, L)]
            wg = w_v[pl.ds(off, L)]
            err = ip + cb + tb - cg
            return acc_in + wg * err * err

        return lax.fori_loop(0, CHUNK // L, group_body, loss_acc)

    loss = jnp.zeros((L,), jnp.float32)
    for cp in bias_cps + scalar_cps:
        cp.wait()
    for c in range(NCHUNK):
        for cp in inflight[c % NBUF]:
            cp.wait()
        loss = compute_chunk(c, loss)
        if c + NBUF < NCHUNK:
            inflight[(c + NBUF) % NBUF] = start_chunk(c + NBUF)

    acc_v[...] = loss
    pltpu.sync_copy(acc_v, out_hbm.at[wid])


def _reduce_body(x_ref, o_ref):
    o_ref[...] = jnp.sum(x_ref[...], keepdims=True).reshape(1, 1) * (1.0 / BATCH)


@jax.jit
def kernel(center_words, target_words, co_occurrences, weightings,
           embedding_v, embedding_u, v_bias, u_bias):
    center = center_words.astype(jnp.int32)
    target = target_words.astype(jnp.int32)
    vb = v_bias.reshape(VOCAB)
    ub = u_bias.reshape(VOCAB)

    mesh = plsc.VectorSubcoreMesh(core_axis_name="c", subcore_axis_name="s")
    sc = pl.kernel(
        _sc_body,
        mesh=mesh,
        out_type=jax.ShapeDtypeStruct((NW, L), jnp.float32),
        compiler_params=pltpu.CompilerParams(needs_layout_passes=False),
        scratch_types=[
            pltpu.VMEM((BPW,), jnp.int32),
            pltpu.VMEM((BPW,), jnp.int32),
            pltpu.VMEM((BPW,), jnp.float32),
            pltpu.VMEM((BPW,), jnp.float32),
            pltpu.VMEM((CHUNK, EMBED), jnp.float32),
            pltpu.VMEM((CHUNK, EMBED), jnp.float32),
            pltpu.VMEM((CHUNK, EMBED), jnp.float32),
            pltpu.VMEM((CHUNK, EMBED), jnp.float32),
            pltpu.VMEM((CHUNK, EMBED), jnp.float32),
            pltpu.VMEM((CHUNK, EMBED), jnp.float32),
            pltpu.VMEM((CHUNK, EMBED), jnp.float32),
            pltpu.VMEM((CHUNK, EMBED), jnp.float32),
            pltpu.VMEM((BPW,), jnp.float32),
            pltpu.VMEM((BPW,), jnp.float32),
            pltpu.VMEM((L,), jnp.float32),
            pltpu.SemaphoreType.DMA,
            pltpu.SemaphoreType.DMA,
            pltpu.SemaphoreType.DMA,
            pltpu.SemaphoreType.DMA,
            pltpu.SemaphoreType.DMA,
            pltpu.SemaphoreType.DMA,
        ],
    )
    partials = sc(center, target, co_occurrences, weightings,
                  embedding_v, embedding_u, vb, ub)

    total = pl.pallas_call(
        _reduce_body,
        out_shape=jax.ShapeDtypeStruct((1, 1), jnp.float32),
    )(partials)
    return total[0, 0]

# --- scband reference (transcript-rebuilt; emitter-appended) ---
"""Pipeline reference for scband-glo-ve-31250182046115 (READ-ONLY COPY).

The authoritative reference and input builder live on the scoring server;
editing this copy changes nothing except your own understanding.
"""

import jax, jax.numpy as jnp
import numpy as np

VOCAB = 100000
EMBED = 128
BATCH = 16384

def setup_inputs(seed: int = 0) -> dict:
    key = jax.random.key(seed)
    k1, k2, k3, k4, k5, k6, k7, k8 = jax.random.split(key, 8)
    center_words = jax.random.randint(k1, (BATCH,), 0, VOCAB, dtype=jnp.int64) if jax.config.jax_enable_x64 else jax.random.randint(k1, (BATCH,), 0, VOCAB).astype(jnp.int32)
    target_words = jax.random.randint(k2, (BATCH,), 0, VOCAB).astype(center_words.dtype)
    co_occurrences = jax.random.uniform(k3, (BATCH,), dtype=jnp.float32)
    weightings = jax.random.uniform(k4, (BATCH,), dtype=jnp.float32)
    embedding_v = jax.random.normal(k5, (VOCAB, EMBED), dtype=jnp.float32) * 0.02
    embedding_u = jax.random.normal(k6, (VOCAB, EMBED), dtype=jnp.float32) * 0.02
    v_bias = jax.random.normal(k7, (VOCAB, 1), dtype=jnp.float32) * 0.02
    u_bias = jax.random.normal(k8, (VOCAB, 1), dtype=jnp.float32) * 0.02
    return {
        "center_words": center_words,
        "target_words": target_words,
        "co_occurrences": co_occurrences,
        "weightings": weightings,
        "embedding_v": embedding_v,
        "embedding_u": embedding_u,
        "v_bias": v_bias,
        "u_bias": u_bias,
    }

def reference(center_words, target_words, co_occurrences, weightings, embedding_v, embedding_u, v_bias, u_bias):
    center_embed = jnp.take(embedding_v, center_words, axis=0)
    target_embed = jnp.take(embedding_u, target_words, axis=0)
    center_bias = jnp.take(v_bias, center_words, axis=0)[:, 0]
    target_bias = jnp.take(u_bias, target_words, axis=0)[:, 0]
    inner_product = jnp.sum(center_embed * target_embed, axis=1)
    loss = weightings * jnp.square(inner_product + center_bias + target_bias - co_occurrences)
    return jnp.mean(loss)

if __name__ == "__main__":
    import jax
    _d = setup_inputs()
    print(jax.jit(kernel)(*tuple(_d.values())))

</pallas_src>

<mosaic_0001>
#map = affine_map<(d0, d1) -> (0)>
#map1 = affine_map<(d0, d1) -> (0, 0)>
module attributes {stable_mosaic.version = 14 : i64} {
  func.func @_sc_body(%arg0: i32, %arg1: i32, %arg2: memref<16384xi32, #tpu.memory_space<hbm>>, %arg3: memref<16384xi32, #tpu.memory_space<hbm>>, %arg4: memref<16384xf32, #tpu.memory_space<hbm>>, %arg5: memref<16384xf32, #tpu.memory_space<hbm>>, %arg6: memref<100000x128xf32, #tpu.memory_space<hbm>>, %arg7: memref<100000x128xf32, #tpu.memory_space<hbm>>, %arg8: memref<100000xf32, #tpu.memory_space<hbm>>, %arg9: memref<100000xf32, #tpu.memory_space<hbm>>, %arg10: memref<32x16xf32, #tpu.memory_space<hbm>>, %arg11: memref<512xi32, #tpu.memory_space<vmem>>, %arg12: memref<512xi32, #tpu.memory_space<vmem>>, %arg13: memref<512xf32, #tpu.memory_space<vmem>>, %arg14: memref<512xf32, #tpu.memory_space<vmem>>, %arg15: memref<64x128xf32, #tpu.memory_space<vmem>>, %arg16: memref<64x128xf32, #tpu.memory_space<vmem>>, %arg17: memref<64x128xf32, #tpu.memory_space<vmem>>, %arg18: memref<64x128xf32, #tpu.memory_space<vmem>>, %arg19: memref<64x128xf32, #tpu.memory_space<vmem>>, %arg20: memref<64x128xf32, #tpu.memory_space<vmem>>, %arg21: memref<64x128xf32, #tpu.memory_space<vmem>>, %arg22: memref<64x128xf32, #tpu.memory_space<vmem>>, %arg23: memref<512xf32, #tpu.memory_space<vmem>>, %arg24: memref<512xf32, #tpu.memory_space<vmem>>, %arg25: memref<16xf32, #tpu.memory_space<vmem>>, %arg26: memref<!tpu.dma_semaphore, #tpu.memory_space<semaphore_mem>>, %arg27: memref<!tpu.dma_semaphore, #tpu.memory_space<semaphore_mem>>, %arg28: memref<!tpu.dma_semaphore, #tpu.memory_space<semaphore_mem>>, %arg29: memref<!tpu.dma_semaphore, #tpu.memory_space<semaphore_mem>>, %arg30: memref<!tpu.dma_semaphore, #tpu.memory_space<semaphore_mem>>, %arg31: memref<!tpu.dma_semaphore, #tpu.memory_space<semaphore_mem>>) attributes {dimension_semantics = [#tpu.dimension_semantics<core_parallel>, #tpu.dimension_semantics<subcore_parallel>], iteration_bounds = array<i64: 2, 16>, scalar_prefetch = 0 : i64, scratch_operands = 21 : i64, tpu.core_type = #tpu.core_type<sc_vector_subcore>, window_params = [{transform_indices = #map}, {transform_indices = #map}, {transform_indices = #map}, {transform_indices = #map}, {transform_indices = #map1}, {transform_indices = #map1}, {transform_indices = #map}, {transform_indices = #map}, {transform_indices = #map1}]} {
    %mul3A = arith.constant 2 : i32
    %mul3A_0 = arith.muli %arg1, %mul3A : i32
    %add3A = arith.addi %mul3A_0, %arg0 : i32
    %mul3A_1 = arith.constant 512 : i32
    %mul3A_2 = arith.muli %add3A, %mul3A_1 : i32
    %dma_start3A = tpu.memref_slice %arg2[%mul3A_2] : memref<16384xi32, #tpu.memory_space<hbm>> -> memref<512xi32, #tpu.memory_space<hbm>>
    %dma_start3A_3 = tpu.memref_slice %arg2[%mul3A_2] : memref<16384xi32, #tpu.memory_space<hbm>> -> memref<512xi32, #tpu.memory_space<hbm>>
    tpu.enqueue_dma source(%dma_start3A_3 : memref<512xi32, #tpu.memory_space<hbm>>) target(%arg11 : memref<512xi32, #tpu.memory_space<vmem>>) target_semaphore(%arg31 : memref<!tpu.dma_semaphore, #tpu.memory_space<semaphore_mem>>)
    %dma_start3A_4 = tpu.memref_slice %arg3[%mul3A_2] : memref<16384xi32, #tpu.memory_space<hbm>> -> memref<512xi32, #tpu.memory_space<hbm>>
    %dma_start3A_5 = tpu.memref_slice %arg3[%mul3A_2] : memref<16384xi32, #tpu.memory_space<hbm>> -> memref<512xi32, #tpu.memory_space<hbm>>
    tpu.enqueue_dma source(%dma_start3A_5 : memref<512xi32, #tpu.memory_space<hbm>>) target(%arg12 : memref<512xi32, #tpu.memory_space<vmem>>) target_semaphore(%arg31 : memref<!tpu.dma_semaphore, #tpu.memory_space<semaphore_mem>>)
    %dma_wait3A = tpu.memref_slice %arg2[%mul3A_2] : memref<16384xi32, #tpu.memory_space<hbm>> -> memref<512xi32, #tpu.memory_space<hbm>>
    %dma_wait3A_6 = tpu.memref_slice %arg2[%mul3A_2] : memref<16384xi32, #tpu.memory_space<hbm>> -> memref<512xi32, #tpu.memory_space<hbm>>
    tpu.wait_dma2 semaphore(%arg31 : memref<!tpu.dma_semaphore, #tpu.memory_space<semaphore_mem>>) src(%dma_wait3A_6 : memref<512xi32, #tpu.memory_space<hbm>>) dst(%arg11 : memref<512xi32, #tpu.memory_space<vmem>>)
    %dma_wait3A_7 = tpu.memref_slice %arg3[%mul3A_2] : memref<16384xi32, #tpu.memory_space<hbm>> -> memref<512xi32, #tpu.memory_space<hbm>>
    %dma_wait3A_8 = tpu.memref_slice %arg3[%mul3A_2] : memref<16384xi32, #tpu.memory_space<hbm>> -> memref<512xi32, #tpu.memory_space<hbm>>
    tpu.wait_dma2 semaphore(%arg31 : memref<!tpu.dma_semaphore, #tpu.memory_space<semaphore_mem>>) src(%dma_wait3A_8 : memref<512xi32, #tpu.memory_space<hbm>>) dst(%arg12 : memref<512xi32, #tpu.memory_space<vmem>>)
    %dma_start3A_9 = arith.constant 0 : i32
    %dma_start3A_10 = tpu.memref_slice %arg11[%dma_start3A_9] : memref<512xi32, #tpu.memory_space<vmem>> -> memref<64xi32, #tpu.memory_space<vmem>>
    %dma_start3A_11 = arith.constant 0 : i32
    %dma_start3A_12 = arith.constant 0 : i32
    %dma_start3A_13 = tpu.memref_slice %arg6[%dma_start3A_11, %dma_start3A_12] : memref<100000x128xf32, #tpu.memory_space<hbm>> -> memref<100000x128xf32, #tpu.memory_space<hbm>>
    tpu.enqueue_indirect_dma source(%dma_start3A_13 : memref<100000x128xf32, #tpu.memory_space<hbm>>) target(%arg15 : memref<64x128xf32, #tpu.memory_space<vmem>>) offsets(%dma_start3A_10 : memref<64xi32, #tpu.memory_space<vmem>>) semaphore(%arg26 : memref<!tpu.dma_semaphore, #tpu.memory_space<semaphore_mem>>)
    %dma_start3A_14 = arith.constant 0 : i32
    %dma_start3A_15 = tpu.memref_slice %arg12[%dma_start3A_14] : memref<512xi32, #tpu.memory_space<vmem>> -> memref<64xi32, #tpu.memory_space<vmem>>
    %dma_start3A_16 = arith.constant 0 : i32
    %dma_start3A_17 = arith.constant 0 : i32
    %dma_start3A_18 = tpu.memref_slice %arg7[%dma_start3A_16, %dma_start3A_17] : memref<100000x128xf32, #tpu.memory_space<hbm>> -> memref<100000x128xf32, #tpu.memory_space<hbm>>
    tpu.enqueue_indirect_dma source(%dma_start3A_18 : memref<100000x128xf32, #tpu.memory_space<hbm>>) target(%arg19 : memref<64x128xf32, #tpu.memory_space<vmem>>) offsets(%dma_start3A_15 : memref<64xi32, #tpu.memory_space<vmem>>) semaphore(%arg26 : memref<!tpu.dma_semaphore, #tpu.memory_space<semaphore_mem>>)
    %dma_start3A_19 = arith.constant 64 : i32
    %dma_start3A_20 = tpu.memref_slice %arg11[%dma_start3A_19] : memref<512xi32, #tpu.memory_space<vmem>> -> memref<64xi32, #tpu.memory_space<vmem>>
    %dma_start3A_21 = arith.constant 0 : i32
    %dma_start3A_22 = arith.constant 0 : i32
    %dma_start3A_23 = tpu.memref_slice %arg6[%dma_start3A_21, %dma_start3A_22] : memref<100000x128xf32, #tpu.memory_space<hbm>> -> memref<100000x128xf32, #tpu.memory_space<hbm>>
    tpu.enqueue_indirect_dma source(%dma_start3A_23 : memref<100000x128xf32, #tpu.memory_space<hbm>>) target(%arg16 : memref<64x128xf32, #tpu.memory_space<vmem>>) offsets(%dma_start3A_20 : memref<64xi32, #tpu.memory_space<vmem>>) semaphore(%arg27 : memref<!tpu.dma_semaphore, #tpu.memory_space<semaphore_mem>>)
    %dma_start3A_24 = arith.constant 64 : i32
    %dma_start3A_25 = tpu.memref_slice %arg12[%dma_start3A_24] : memref<512xi32, #tpu.memory_space<vmem>> -> memref<64xi32, #tpu.memory_space<vmem>>
    %dma_start3A_26 = arith.constant 0 : i32
    %dma_start3A_27 = arith.constant 0 : i32
    %dma_start3A_28 = tpu.memref_slice %arg7[%dma_start3A_26, %dma_start3A_27] : memref<100000x128xf32, #tpu.memory_space<hbm>> -> memref<100000x128xf32, #tpu.memory_space<hbm>>
    tpu.enqueue_indirect_dma source(%dma_start3A_28 : memref<100000x128xf32, #tpu.memory_space<hbm>>) target(%arg20 : memref<64x128xf32, #tpu.memory_space<vmem>>) offsets(%dma_start3A_25 : memref<64xi32, #tpu.memory_space<vmem>>) semaphore(%arg27 : memref<!tpu.dma_semaphore, #tpu.memory_space<semaphore_mem>>)
    %dma_start3A_29 = arith.constant 128 : i32
    %dma_start3A_30 = tpu.memref_slice %arg11[%dma_start3A_29] : memref<512xi32, #tpu.memory_space<vmem>> -> memref<64xi32, #tpu.memory_space<vmem>>
    %dma_start3A_31 = arith.constant 0 : i32
    %dma_start3A_32 = arith.constant 0 : i32
    %dma_start3A_33 = tpu.memref_slice %arg6[%dma_start3A_31, %dma_start3A_32] : memref<100000x128xf32, #tpu.memory_space<hbm>> -> memref<100000x128xf32, #tpu.memory_space<hbm>>
    tpu.enqueue_indirect_dma source(%dma_start3A_33 : memref<100000x128xf32, #tpu.memory_space<hbm>>) target(%arg17 : memref<64x128xf32, #tpu.memory_space<vmem>>) offsets(%dma_start3A_30 : memref<64xi32, #tpu.memory_space<vmem>>) semaphore(%arg28 : memref<!tpu.dma_semaphore, #tpu.memory_space<semaphore_mem>>)
    %dma_start3A_34 = arith.constant 128 : i32
    %dma_start3A_35 = tpu.memref_slice %arg12[%dma_start3A_34] : memref<512xi32, #tpu.memory_space<vmem>> -> memref<64xi32, #tpu.memory_space<vmem>>
    %dma_start3A_36 = arith.constant 0 : i32
    %dma_start3A_37 = arith.constant 0 : i32
    %dma_start3A_38 = tpu.memref_slice %arg7[%dma_start3A_36, %dma_start3A_37] : memref<100000x128xf32, #tpu.memory_space<hbm>> -> memref<100000x128xf32, #tpu.memory_space<hbm>>
    tpu.enqueue_indirect_dma source(%dma_start3A_38 : memref<100000x128xf32, #tpu.memory_space<hbm>>) target(%arg21 : memref<64x128xf32, #tpu.memory_space<vmem>>) offsets(%dma_start3A_35 : memref<64xi32, #tpu.memory_space<vmem>>) semaphore(%arg28 : memref<!tpu.dma_semaphore, #tpu.memory_space<semaphore_mem>>)
    %dma_start3A_39 = arith.constant 192 : i32
    %dma_start3A_40 = tpu.memref_slice %arg11[%dma_start3A_39] : memref<512xi32, #tpu.memory_space<vmem>> -> memref<64xi32, #tpu.memory_space<vmem>>
    %dma_start3A_41 = arith.constant 0 : i32
    %dma_start3A_42 = arith.constant 0 : i32
    %dma_start3A_43 = tpu.memref_slice %arg6[%dma_start3A_41, %dma_start3A_42] : memref<100000x128xf32, #tpu.memory_space<hbm>> -> memref<100000x128xf32, #tpu.memory_space<hbm>>
    tpu.enqueue_indirect_dma source(%dma_start3A_43 : memref<100000x128xf32, #tpu.memory_space<hbm>>) target(%arg18 : memref<64x128xf32, #tpu.memory_space<vmem>>) offsets(%dma_start3A_40 : memref<64xi32, #tpu.memory_space<vmem>>) semaphore(%arg29 : memref<!tpu.dma_semaphore, #tpu.memory_space<semaphore_mem>>)
    %dma_start3A_44 = arith.constant 192 : i32
    %dma_start3A_45 = tpu.memref_slice %arg12[%dma_start3A_44] : memref<512xi32, #tpu.memory_space<vmem>> -> memref<64xi32, #tpu.memory_space<vmem>>
    %dma_start3A_46 = arith.constant 0 : i32
    %dma_start3A_47 = arith.constant 0 : i32
    %dma_start3A_48 = tpu.memref_slice %arg7[%dma_start3A_46, %dma_start3A_47] : memref<100000x128xf32, #tpu.memory_space<hbm>> -> memref<100000x128xf32, #tpu.memory_space<hbm>>
    tpu.enqueue_indirect_dma source(%dma_start3A_48 : memref<100000x128xf32, #tpu.memory_space<hbm>>) target(%arg22 : memref<64x128xf32, #tpu.memory_space<vmem>>) offsets(%dma_start3A_45 : memref<64xi32, #tpu.memory_space<vmem>>) semaphore(%arg29 : memref<!tpu.dma_semaphore, #tpu.memory_space<semaphore_mem>>)
    %dma_start3A_49 = arith.constant 0 : i32
    %dma_start3A_50 = tpu.memref_slice %arg8[%dma_start3A_49] : memref<100000xf32, #tpu.memory_space<hbm>> -> memref<100000xf32, #tpu.memory_space<hbm>>
    tpu.enqueue_indirect_dma source(%dma_start3A_50 : memref<100000xf32, #tpu.memory_space<hbm>>) target(%arg23 : memref<512xf32, #tpu.memory_space<vmem>>) offsets(%arg11 : memref<512xi32, #tpu.memory_space<vmem>>) semaphore(%arg30 : memref<!tpu.dma_semaphore, #tpu.memory_space<semaphore_mem>>)
    %dma_start3A_51 = arith.constant 0 : i32
    %dma_start3A_52 = tpu.memref_slice %arg9[%dma_start3A_51] : memref<100000xf32, #tpu.memory_space<hbm>> -> memref<100000xf32, #tpu.memory_space<hbm>>
    tpu.enqueue_indirect_dma source(%dma_start3A_52 : memref<100000xf32, #tpu.memory_space<hbm>>) target(%arg24 : memref<512xf32, #tpu.memory_space<vmem>>) offsets(%arg12 : memref<512xi32, #tpu.memory_space<vmem>>) semaphore(%arg30 : memref<!tpu.dma_semaphore, #tpu.memory_space<semaphore_mem>>)
    %dma_start3A_53 = tpu.memref_slice %arg4[%mul3A_2] : memref<16384xf32, #tpu.memory_space<hbm>> -> memref<512xf32, #tpu.memory_space<hbm>>
    %dma_start3A_54 = tpu.memref_slice %arg4[%mul3A_2] : memref<16384xf32, #tpu.memory_space<hbm>> -> memref<512xf32, #tpu.memory_space<hbm>>
    tpu.enqueue_dma source(%dma_start3A_54 : memref<512xf32, #tpu.memory_space<hbm>>) target(%arg13 : memref<512xf32, #tpu.memory_space<vmem>>) target_semaphore(%arg31 : memref<!tpu.dma_semaphore, #tpu.memory_space<semaphore_mem>>)
    %dma_start3A_55 = tpu.memref_slice %arg5[%mul3A_2] : memref<16384xf32, #tpu.memory_space<hbm>> -> memref<512xf32, #tpu.memory_space<hbm>>
    %dma_start3A_56 = tpu.memref_slice %arg5[%mul3A_2] : memref<16384xf32, #tpu.memory_space<hbm>> -> memref<512xf32, #tpu.memory_space<hbm>>
    tpu.enqueue_dma source(%dma_start3A_56 : memref<512xf32, #tpu.memory_space<hbm>>) target(%arg14 : memref<512xf32, #tpu.memory_space<vmem>>) target_semaphore(%arg31 : memref<!tpu.dma_semaphore, #tpu.memory_space<semaphore_mem>>)
    %iota3A = tpu.iota {dimensions = array<i32: 0>} : vector<16xi32>
    %broadcast_in_dim3A = arith.constant 0.000000e+00 : f32
    %broadcast_in_dim3A_57 = vector.broadcast %broadcast_in_dim3A : f32 to vector<16xf32>
    %dma_wait3A_58 = arith.constant 0 : i32
    %dma_wait3A_59 = tpu.memref_slice %arg8[%dma_wait3A_58] : memref<100000xf32, #tpu.memory_space<hbm>> -> memref<100000xf32, #tpu.memory_space<hbm>>
    tpu.wait_indirect_dma semaphore(%arg30 : memref<!tpu.dma_semaphore, #tpu.memory_space<semaphore_mem>>) src(%dma_wait3A_59 : memref<100000xf32, #tpu.memory_space<hbm>>) dst(%arg23 : memref<512xf32, #tpu.memory_space<vmem>>)
    %dma_wait3A_60 = arith.constant 0 : i32
    %dma_wait3A_61 = tpu.memref_slice %arg9[%dma_wait3A_60] : memref<100000xf32, #tpu.memory_space<hbm>> -> memref<100000xf32, #tpu.memory_space<hbm>>
    tpu.wait_indirect_dma semaphore(%arg30 : memref<!tpu.dma_semaphore, #tpu.memory_space<semaphore_mem>>) src(%dma_wait3A_61 : memref<100000xf32, #tpu.memory_space<hbm>>) dst(%arg24 : memref<512xf32, #tpu.memory_space<vmem>>)
    %dma_wait3A_62 = tpu.memref_slice %arg4[%mul3A_2] : memref<16384xf32, #tpu.memory_space<hbm>> -> memref<512xf32, #tpu.memory_space<hbm>>
    %dma_wait3A_63 = tpu.memref_slice %arg4[%mul3A_2] : memref<16384xf32, #tpu.memory_space<hbm>> -> memref<512xf32, #tpu.memory_space<hbm>>
    tpu.wait_dma2 semaphore(%arg31 : memref<!tpu.dma_semaphore, #tpu.memory_space<semaphore_mem>>) src(%dma_wait3A_63 : memref<512xf32, #tpu.memory_space<hbm>>) dst(%arg13 : memref<512xf32, #tpu.memory_space<vmem>>)
    %dma_wait3A_64 = tpu.memref_slice %arg5[%mul3A_2] : memref<16384xf32, #tpu.memory_space<hbm>> -> memref<512xf32, #tpu.memory_space<hbm>>
    %dma_wait3A_65 = tpu.memref_slice %arg5[%mul3A_2] : memref<16384xf32, #tpu.memory_space<hbm>> -> memref<512xf32, #tpu.memory_space<hbm>>
    tpu.wait_dma2 semaphore(%arg31 : memref<!tpu.dma_semaphore, #tpu.memory_space<semaphore_mem>>) src(%dma_wait3A_65 : memref<512xf32, #tpu.memory_space<hbm>>) dst(%arg14 : memref<512xf32, #tpu.memory_space<vmem>>)
    %dma_wait3A_66 = arith.constant 0 : i32
    %dma_wait3A_67 = tpu.memref_slice %arg11[%dma_wait3A_66] : memref<512xi32, #tpu.memory_space<vmem>> -> memref<64xi32, #tpu.memory_space<vmem>>
    %dma_wait3A_68 = arith.constant 0 : i32
    %dma_wait3A_69 = arith.constant 0 : i32
    %dma_wait3A_70 = tpu.memref_slice %arg6[%dma_wait3A_68, %dma_wait3A_69] : memref<100000x128xf32, #tpu.memory_space<hbm>> -> memref<100000x128xf32, #tpu.memory_space<hbm>>
    tpu.wait_indirect_dma semaphore(%arg26 : memref<!tpu.dma_semaphore, #tpu.memory_space<semaphore_mem>>) src(%dma_wait3A_70 : memref<100000x128xf32, #tpu.memory_space<hbm>>) dst(%arg15 : memref<64x128xf32, #tpu.memory_space<vmem>>)
    %dma_wait3A_71 = arith.constant 0 : i32
    %dma_wait3A_72 = tpu.memref_slice %arg12[%dma_wait3A_71] : memref<512xi32, #tpu.memory_space<vmem>> -> memref<64xi32, #tpu.memory_space<vmem>>
    %dma_wait3A_73 = arith.constant 0 : i32
    %dma_wait3A_74 = arith.constant 0 : i32
    %dma_wait3A_75 = tpu.memref_slice %arg7[%dma_wait3A_73, %dma_wait3A_74] : memref<100000x128xf32, #tpu.memory_space<hbm>> -> memref<100000x128xf32, #tpu.memory_space<hbm>>
    tpu.wait_indirect_dma semaphore(%arg26 : memref<!tpu.dma_semaphore, #tpu.memory_space<semaphore_mem>>) src(%dma_wait3A_75 : memref<100000x128xf32, #tpu.memory_space<hbm>>) dst(%arg19 : memref<64x128xf32, #tpu.memory_space<vmem>>)
    %scan3A = arith.constant 0 : i32
    %scan3A_76 = arith.constant 4 : i32
    %scan3A_77 = arith.addi %scan3A, %scan3A_76 : i32
    %scan3A_78 = arith.constant 1 : i32
    %scan3A_79 = scf.for %scan3A_234 = %scan3A to %scan3A_77 step %scan3A_78 iter_args(%scan3A_235 = %broadcast_in_dim3A_57) -> (vector<16xf32>)  : i32 {
      %mul3A_236 = arith.constant 16 : i32
      %mul3A_237 = arith.muli %scan3A_234, %mul3A_236 : i32
      %add3A_238 = vector.broadcast %mul3A_237 : i32 to vector<16xi32>
      %add3A_239 = arith.addi %add3A_238, %iota3A : vector<16xi32>
      %broadcast_in_dim3A_240 = arith.constant 0.000000e+00 : f32
      %broadcast_in_dim3A_241 = vector.broadcast %broadcast_in_dim3A_240 : f32 to vector<16xf32>
      %scan3A_242 = arith.constant 0 : i32
      %scan3A_243 = arith.constant 16 : i32
      %scan3A_244 = arith.addi %scan3A_242, %scan3A_243 : i32
      %scan3A_245 = arith.constant 1 : i32
      %scan3A_246:2 = scf.for %scan3A_265 = %scan3A_242 to %scan3A_244 step %scan3A_245 iter_args(%scan3A_266 = %broadcast_in_dim3A_241, %scan3A_267 = %broadcast_in_dim3A_241) -> (vector<16xf32>, vector<16xf32>)  : i32 {
        %add3A_268 = vector.broadcast %scan3A_265 : i32 to vector<16xi32>
        %add3A_269 = arith.addi %iota3A, %add3A_268 : vector<16xi32>
        %and3A = arith.constant 15 : i32
        %and3A_270 = vector.broadcast %and3A : i32 to vector<16xi32>
        %and3A_271 = arith.andi %add3A_269, %and3A_270 : vector<16xi32>
        %add3A_272 = arith.constant 0 : i32
        %add3A_273 = vector.broadcast %add3A_272 : i32 to vector<16xi32>
        %add3A_274 = arith.addi %and3A_271, %add3A_273 : vector<16xi32>
        %gather3A = tpu.vector_load_idx %arg15[%add3A_239, %add3A_274] : memref<64x128xf32, #tpu.memory_space<vmem>>[vector<16xi32>, vector<16xi32>], vector<16xf32>,
        %gather3A_275 = tpu.vector_load_idx %arg19[%add3A_239, %add3A_274] : memref<64x128xf32, #tpu.memory_space<vmem>>[vector<16xi32>, vector<16xi32>], vector<16xf32>,
        %mul3A_276 = arith.mulf %gather3A, %gather3A_275 : vector<16xf32>
        %add3A_277 = arith.addf %scan3A_266, %mul3A_276 : vector<16xf32>
        %add3A_278 = arith.constant 16 : i32
        %add3A_279 = vector.broadcast %add3A_278 : i32 to vector<16xi32>
        %add3A_280 = arith.addi %and3A_271, %add3A_279 : vector<16xi32>
        %gather3A_281 = tpu.vector_load_idx %arg15[%add3A_239, %add3A_280] : memref<64x128xf32, #tpu.memory_space<vmem>>[vector<16xi32>, vector<16xi32>], vector<16xf32>,
        %gather3A_282 = tpu.vector_load_idx %arg19[%add3A_239, %add3A_280] : memref<64x128xf32, #tpu.memory_space<vmem>>[vector<16xi32>, vector<16xi32>], vector<16xf32>,
        %mul3A_283 = arith.mulf %gather3A_281, %gather3A_282 : vector<16xf32>
        %add3A_284 = arith.addf %scan3A_267, %mul3A_283 : vector<16xf32>
        %add3A_285 = arith.constant 32 : i32
        %add3A_286 = vector.broadcast %add3A_285 : i32 to vector<16xi32>
        %add3A_287 = arith.addi %and3A_271, %add3A_286 : vector<16xi32>
        %gather3A_288 = tpu.vector_load_idx %arg15[%add3A_239, %add3A_287] : memref<64x128xf32, #tpu.memory_space<vmem>>[vector<16xi32>, vector<16xi32>], vector<16xf32>,
        %gather3A_289 = tpu.vector_load_idx %arg19[%add3A_239, %add3A_287] : memref<64x128xf32, #tpu.memory_space<vmem>>[vector<16xi32>, vector<16xi32>], vector<16xf32>,
        %mul3A_290 = arith.mulf %gather3A_288, %gather3A_289 : vector<16xf32>
        %add3A_291 = arith.addf %add3A_277, %mul3A_290 : vector<16xf32>
        %add3A_292 = arith.constant 48 : i32
        %add3A_293 = vector.broadcast %add3A_292 : i32 to vector<16xi32>
        %add3A_294 = arith.addi %and3A_271, %add3A_293 : vector<16xi32>
        %gather3A_295 = tpu.vector_load_idx %arg15[%add3A_239, %add3A_294] : memref<64x128xf32, #tpu.memory_space<vmem>>[vector<16xi32>, vector<16xi32>], vector<16xf32>,
        %gather3A_296 = tpu.vector_load_idx %arg19[%add3A_239, %add3A_294] : memref<64x128xf32, #tpu.memory_space<vmem>>[vector<16xi32>, vector<16xi32>], vector<16xf32>,
        %mul3A_297 = arith.mulf %gather3A_295, %gather3A_296 : vector<16xf32>
        %add3A_298 = arith.addf %add3A_284, %mul3A_297 : vector<16xf32>
        %add3A_299 = arith.constant 64 : i32
        %add3A_300 = vector.broadcast %add3A_299 : i32 to vector<16xi32>
        %add3A_301 = arith.addi %and3A_271, %add3A_300 : vector<16xi32>
        %gather3A_302 = tpu.vector_load_idx %arg15[%add3A_239, %add3A_301] : memref<64x128xf32, #tpu.memory_space<vmem>>[vector<16xi32>, vector<16xi32>], vector<16xf32>,
        %gather3A_303 = tpu.vector_load_idx %arg19[%add3A_239, %add3A_301] : memref<64x128xf32, #tpu.memory_space<vmem>>[vector<16xi32>, vector<16xi32>], vector<16xf32>,
        %mul3A_304 = arith.mulf %gather3A_302, %gather3A_303 : vector<16xf32>
        %add3A_305 = arith.addf %add3A_291, %mul3A_304 : vector<16xf32>
        %add3A_306 = arith.constant 80 : i32
        %add3A_307 = vector.broadcast %add3A_306 : i32 to vector<16xi32>
        %add3A_308 = arith.addi %and3A_271, %add3A_307 : vector<16xi32>
        %gather3A_309 = tpu.vector_load_idx %arg15[%add3A_239, %add3A_308] : memref<64x128xf32, #tpu.memory_space<vmem>>[vector<16xi32>, vector<16xi32>], vector<16xf32>,
        %gather3A_310 = tpu.vector_load_idx %arg19[%add3A_239, %add3A_308] : memref<64x128xf32, #tpu.memory_space<vmem>>[vector<16xi32>, vector<16xi32>], vector<16xf32>,
        %mul3A_311 = arith.mulf %gather3A_309, %gather3A_310 : vector<16xf32>
        %add3A_312 = arith.addf %add3A_298, %mul3A_311 : vector<16xf32>
        %add3A_313 = arith.constant 96 : i32
        %add3A_314 = vector.broadcast %add3A_313 : i32 to vector<16xi32>
        %add3A_315 = arith.addi %and3A_271, %add3A_314 : vector<16xi32>
        %gather3A_316 = tpu.vector_load_idx %arg15[%add3A_239, %add3A_315] : memref<64x128xf32, #tpu.memory_space<vmem>>[vector<16xi32>, vector<16xi32>], vector<16xf32>,
        %gather3A_317 = tpu.vector_load_idx %arg19[%add3A_239, %add3A_315] : memref<64x128xf32, #tpu.memory_space<vmem>>[vector<16xi32>, vector<16xi32>], vector<16xf32>,
        %mul3A_318 = arith.mulf %gather3A_316, %gather3A_317 : vector<16xf32>
        %add3A_319 = arith.addf %add3A_305, %mul3A_318 : vector<16xf32>
        %add3A_320 = arith.constant 112 : i32
        %add3A_321 = vector.broadcast %add3A_320 : i32 to vector<16xi32>
        %add3A_322 = arith.addi %and3A_271, %add3A_321 : vector<16xi32>
        %gather3A_323 = tpu.vector_load_idx %arg15[%add3A_239, %add3A_322] : memref<64x128xf32, #tpu.memory_space<vmem>>[vector<16xi32>, vector<16xi32>], vector<16xf32>,
        %gather3A_324 = tpu.vector_load_idx %arg19[%add3A_239, %add3A_322] : memref<64x128xf32, #tpu.memory_space<vmem>>[vector<16xi32>, vector<16xi32>], vector<16xf32>,
        %mul3A_325 = arith.mulf %gather3A_323, %gather3A_324 : vector<16xf32>
        %add3A_326 = arith.addf %add3A_312, %mul3A_325 : vector<16xf32>
        scf.yield %add3A_319, %add3A_326 : vector<16xf32>, vector<16xf32>
      }
      %scan3A_247 = arith.constant 16 : i32
      %add3A_248 = arith.addf %scan3A_246#0, %scan3A_246#1 : vector<16xf32>
      %mul3A_249 = arith.constant 16 : i32
      %mul3A_250 = arith.muli %scan3A_234, %mul3A_249 : i32
      %add3A_251 = arith.constant 0 : i32
      %add3A_252 = arith.addi %add3A_251, %mul3A_250 : i32
      %get3A = arith.index_cast %add3A_252 : i32 to index
      %get3A_253 = tpu.vector_load %arg23[%get3A] {strides = array<i32>} : memref<512xf32, #tpu.memory_space<vmem>>, vector<16xf32>,
      %get3A_254 = arith.index_cast %add3A_252 : i32 to index
      %get3A_255 = tpu.vector_load %arg24[%get3A_254] {strides = array<i32>} : memref<512xf32, #tpu.memory_space<vmem>>, vector<16xf32>,
      %get3A_256 = arith.index_cast %add3A_252 : i32 to index
      %get3A_257 = tpu.vector_load %arg13[%get3A_256] {strides = array<i32>} : memref<512xf32, #tpu.memory_space<vmem>>, vector<16xf32>,
      %get3A_258 = arith.index_cast %add3A_252 : i32 to index
      %get3A_259 = tpu.vector_load %arg14[%get3A_258] {strides = array<i32>} : memref<512xf32, #tpu.memory_space<vmem>>, vector<16xf32>,
      %add3A_260 = arith.addf %add3A_248, %get3A_253 : vector<16xf32>
      %add3A_261 = arith.addf %add3A_260, %get3A_255 : vector<16xf32>
      %sub3A = arith.subf %add3A_261, %get3A_257 : vector<16xf32>
      %mul3A_262 = arith.mulf %get3A_259, %sub3A : vector<16xf32>
      %mul3A_263 = arith.mulf %mul3A_262, %sub3A : vector<16xf32>
      %add3A_264 = arith.addf %scan3A_235, %mul3A_263 : vector<16xf32>
      scf.yield %add3A_264 : vector<16xf32>
    }
    %scan3A_80 = arith.constant 4 : i32
    %dma_start3A_81 = arith.constant 256 : i32
    %dma_start3A_82 = tpu.memref_slice %arg11[%dma_start3A_81] : memref<512xi32, #tpu.memory_space<vmem>> -> memref<64xi32, #tpu.memory_space<vmem>>
    %dma_start3A_83 = arith.constant 0 : i32
    %dma_start3A_84 = arith.constant 0 : i32
    %dma_start3A_85 = tpu.memref_slice %arg6[%dma_start3A_83, %dma_start3A_84] : memref<100000x128xf32, #tpu.memory_space<hbm>> -> memref<100000x128xf32, #tpu.memory_space<hbm>>
    tpu.enqueue_indirect_dma source(%dma_start3A_85 : memref<100000x128xf32, #tpu.memory_space<hbm>>) target(%arg15 : memref<64x128xf32, #tpu.memory_space<vmem>>) offsets(%dma_start3A_82 : memref<64xi32, #tpu.memory_space<vmem>>) semaphore(%arg26 : memref<!tpu.dma_semaphore, #tpu.memory_space<semaphore_mem>>)
    %dma_start3A_86 = arith.constant 256 : i32
    %dma_start3A_87 = tpu.memref_slice %arg12[%dma_start3A_86] : memref<512xi32, #tpu.memory_space<vmem>> -> memref<64xi32, #tpu.memory_space<vmem>>
    %dma_start3A_88 = arith.constant 0 : i32
    %dma_start3A_89 = arith.constant 0 : i32
    %dma_start3A_90 = tpu.memref_slice %arg7[%dma_start3A_88, %dma_start3A_89] : memref<100000x128xf32, #tpu.memory_space<hbm>> -> memref<100000x128xf32, #tpu.memory_space<hbm>>
    tpu.enqueue_indirect_dma source(%dma_start3A_90 : memref<100000x128xf32, #tpu.memory_space<hbm>>) target(%arg19 : memref<64x128xf32, #tpu.memory_space<vmem>>) offsets(%dma_start3A_87 : memref<64xi32, #tpu.memory_space<vmem>>) semaphore(%arg26 : memref<!tpu.dma_semaphore, #tpu.memory_space<semaphore_mem>>)
    %dma_wait3A_91 = arith.constant 64 : i32
    %dma_wait3A_92 = tpu.memref_slice %arg11[%dma_wait3A_91] : memref<512xi32, #tpu.memory_space<vmem>> -> memref<64xi32, #tpu.memory_space<vmem>>
    %dma_wait3A_93 = arith.constant 0 : i32
    %dma_wait3A_94 = arith.constant 0 : i32
    %dma_wait3A_95 = tpu.memref_slice %arg6[%dma_wait3A_93, %dma_wait3A_94] : memref<100000x128xf32, #tpu.memory_space<hbm>> -> memref<100000x128xf32, #tpu.memory_space<hbm>>
    tpu.wait_indirect_dma semaphore(%arg27 : memref<!tpu.dma_semaphore, #tpu.memory_space<semaphore_mem>>) src(%dma_wait3A_95 : memref<100000x128xf32, #tpu.memory_space<hbm>>) dst(%arg16 : memref<64x128xf32, #tpu.memory_space<vmem>>)
    %dma_wait3A_96 = arith.constant 64 : i32
    %dma_wait3A_97 = tpu.memref_slice %arg12[%dma_wait3A_96] : memref<512xi32, #tpu.memory_space<vmem>> -> memref<64xi32, #tpu.memory_space<vmem>>
    %dma_wait3A_98 = arith.constant 0 : i32
    %dma_wait3A_99 = arith.constant 0 : i32
    %dma_wait3A_100 = tpu.memref_slice %arg7[%dma_wait3A_98, %dma_wait3A_99] : memref<100000x128xf32, #tpu.memory_space<hbm>> -> memref<100000x128xf32, #tpu.memory_space<hbm>>
    tpu.wait_indirect_dma semaphore(%arg27 : memref<!tpu.dma_semaphore, #tpu.memory_space<semaphore_mem>>) src(%dma_wait3A_100 : memref<100000x128xf32, #tpu.memory_space<hbm>>) dst(%arg20 : memref<64x128xf32, #tpu.memory_space<vmem>>)
    %scan3A_101 = arith.constant 0 : i32
    %scan3A_102 = arith.constant 4 : i32
    %scan3A_103 = arith.addi %scan3A_101, %scan3A_102 : i32
    %scan3A_104 = arith.constant 1 : i32
    %scan3A_105 = scf.for %scan3A_234 = %scan3A_101 to %scan3A_103 step %scan3A_104 iter_args(%scan3A_235 = %scan3A_79) -> (vector<16xf32>)  : i32 {
      %mul3A_236 = arith.constant 16 : i32
      %mul3A_237 = arith.muli %scan3A_234, %mul3A_236 : i32
      %add3A_238 = vector.broadcast %mul3A_237 : i32 to vector<16xi32>
      %add3A_239 = arith.addi %add3A_238, %iota3A : vector<16xi32>
      %broadcast_in_dim3A_240 = arith.constant 0.000000e+00 : f32
      %broadcast_in_dim3A_241 = vector.broadcast %broadcast_in_dim3A_240 : f32 to vector<16xf32>
      %scan3A_242 = arith.constant 0 : i32
      %scan3A_243 = arith.constant 16 : i32
      %scan3A_244 = arith.addi %scan3A_242, %scan3A_243 : i32
      %scan3A_245 = arith.constant 1 : i32
      %scan3A_246:2 = scf.for %scan3A_265 = %scan3A_242 to %scan3A_244 step %scan3A_245 iter_args(%scan3A_266 = %broadcast_in_dim3A_241, %scan3A_267 = %broadcast_in_dim3A_241) -> (vector<16xf32>, vector<16xf32>)  : i32 {
        %add3A_268 = vector.broadcast %scan3A_265 : i32 to vector<16xi32>
        %add3A_269 = arith.addi %iota3A, %add3A_268 : vector<16xi32>
        %and3A = arith.constant 15 : i32
        %and3A_270 = vector.broadcast %and3A : i32 to vector<16xi32>
        %and3A_271 = arith.andi %add3A_269, %and3A_270 : vector<16xi32>
        %add3A_272 = arith.constant 0 : i32
        %add3A_273 = vector.broadcast %add3A_272 : i32 to vector<16xi32>
        %add3A_274 = arith.addi %and3A_271, %add3A_273 : vector<16xi32>
        %gather3A = tpu.vector_load_idx %arg16[%add3A_239, %add3A_274] : memref<64x128xf32, #tpu.memory_space<vmem>>[vector<16xi32>, vector<16xi32>], vector<16xf32>,
        %gather3A_275 = tpu.vector_load_idx %arg20[%add3A_239, %add3A_274] : memref<64x128xf32, #tpu.memory_space<vmem>>[vector<16xi32>, vector<16xi32>], vector<16xf32>,
        %mul3A_276 = arith.mulf %gather3A, %gather3A_275 : vector<16xf32>
        %add3A_277 = arith.addf %scan3A_266, %mul3A_276 : vector<16xf32>
        %add3A_278 = arith.constant 16 : i32
        %add3A_279 = vector.broadcast %add3A_278 : i32 to vector<16xi32>
        %add3A_280 = arith.addi %and3A_271, %add3A_279 : vector<16xi32>
        %gather3A_281 = tpu.vector_load_idx %arg16[%add3A_239, %add3A_280] : memref<64x128xf32, #tpu.memory_space<vmem>>[vector<16xi32>, vector<16xi32>], vector<16xf32>,
        %gather3A_282 = tpu.vector_load_idx %arg20[%add3A_239, %add3A_280] : memref<64x128xf32, #tpu.memory_space<vmem>>[vector<16xi32>, vector<16xi32>], vector<16xf32>,
        %mul3A_283 = arith.mulf %gather3A_281, %gather3A_282 : vector<16xf32>
        %add3A_284 = arith.addf %scan3A_267, %mul3A_283 : vector<16xf32>
        %add3A_285 = arith.constant 32 : i32
        %add3A_286 = vector.broadcast %add3A_285 : i32 to vector<16xi32>
        %add3A_287 = arith.addi %and3A_271, %add3A_286 : vector<16xi32>
        %gather3A_288 = tpu.vector_load_idx %arg16[%add3A_239, %add3A_287] : memref<64x128xf32, #tpu.memory_space<vmem>>[vector<16xi32>, vector<16xi32>], vector<16xf32>,
        %gather3A_289 = tpu.vector_load_idx %arg20[%add3A_239, %add3A_287] : memref<64x128xf32, #tpu.memory_space<vmem>>[vector<16xi32>, vector<16xi32>], vector<16xf32>,
        %mul3A_290 = arith.mulf %gather3A_288, %gather3A_289 : vector<16xf32>
        %add3A_291 = arith.addf %add3A_277, %mul3A_290 : vector<16xf32>
        %add3A_292 = arith.constant 48 : i32
        %add3A_293 = vector.broadcast %add3A_292 : i32 to vector<16xi32>
        %add3A_294 = arith.addi %and3A_271, %add3A_293 : vector<16xi32>
        %gather3A_295 = tpu.vector_load_idx %arg16[%add3A_239, %add3A_294] : memref<64x128xf32, #tpu.memory_space<vmem>>[vector<16xi32>, vector<16xi32>], vector<16xf32>,
        %gather3A_296 = tpu.vector_load_idx %arg20[%add3A_239, %add3A_294] : memref<64x128xf32, #tpu.memory_space<vmem>>[vector<16xi32>, vector<16xi32>], vector<16xf32>,
        %mul3A_297 = arith.mulf %gather3A_295, %gather3A_296 : vector<16xf32>
        %add3A_298 = arith.addf %add3A_284, %mul3A_297 : vector<16xf32>
        %add3A_299 = arith.constant 64 : i32
        %add3A_300 = vector.broadcast %add3A_299 : i32 to vector<16xi32>
        %add3A_301 = arith.addi %and3A_271, %add3A_300 : vector<16xi32>
        %gather3A_302 = tpu.vector_load_idx %arg16[%add3A_239, %add3A_301] : memref<64x128xf32, #tpu.memory_space<vmem>>[vector<16xi32>, vector<16xi32>], vector<16xf32>,
        %gather3A_303 = tpu.vector_load_idx %arg20[%add3A_239, %add3A_301] : memref<64x128xf32, #tpu.memory_space<vmem>>[vector<16xi32>, vector<16xi32>], vector<16xf32>,
        %mul3A_304 = arith.mulf %gather3A_302, %gather3A_303 : vector<16xf32>
        %add3A_305 = arith.addf %add3A_291, %mul3A_304 : vector<16xf32>
        %add3A_306 = arith.constant 80 : i32
        %add3A_307 = vector.broadcast %add3A_306 : i32 to vector<16xi32>
        %add3A_308 = arith.addi %and3A_271, %add3A_307 : vector<16xi32>
        %gather3A_309 = tpu.vector_load_idx %arg16[%add3A_239, %add3A_308] : memref<64x128xf32, #tpu.memory_space<vmem>>[vector<16xi32>, vector<16xi32>], vector<16xf32>,
        %gather3A_310 = tpu.vector_load_idx %arg20[%add3A_239, %add3A_308] : memref<64x128xf32, #tpu.memory_space<vmem>>[vector<16xi32>, vector<16xi32>], vector<16xf32>,
        %mul3A_311 = arith.mulf %gather3A_309, %gather3A_310 : vector<16xf32>
        %add3A_312 = arith.addf %add3A_298, %mul3A_311 : vector<16xf32>
        %add3A_313 = arith.constant 96 : i32
        %add3A_314 = vector.broadcast %add3A_313 : i32 to vector<16xi32>
        %add3A_315 = arith.addi %and3A_271, %add3A_314 : vector<16xi32>
        %gather3A_316 = tpu.vector_load_idx %arg16[%add3A_239, %add3A_315] : memref<64x128xf32, #tpu.memory_space<vmem>>[vector<16xi32>, vector<16xi32>], vector<16xf32>,
        %gather3A_317 = tpu.vector_load_idx %arg20[%add3A_239, %add3A_315] : memref<64x128xf32, #tpu.memory_space<vmem>>[vector<16xi32>, vector<16xi32>], vector<16xf32>,
        %mul3A_318 = arith.mulf %gather3A_316, %gather3A_317 : vector<16xf32>
        %add3A_319 = arith.addf %add3A_305, %mul3A_318 : vector<16xf32>
        %add3A_320 = arith.constant 112 : i32
        %add3A_321 = vector.broadcast %add3A_320 : i32 to vector<16xi32>
        %add3A_322 = arith.addi %and3A_271, %add3A_321 : vector<16xi32>
        %gather3A_323 = tpu.vector_load_idx %arg16[%add3A_239, %add3A_322] : memref<64x128xf32, #tpu.memory_space<vmem>>[vector<16xi32>, vector<16xi32>], vector<16xf32>,
        %gather3A_324 = tpu.vector_load_idx %arg20[%add3A_239, %add3A_322] : memref<64x128xf32, #tpu.memory_space<vmem>>[vector<16xi32>, vector<16xi32>], vector<16xf32>,
        %mul3A_325 = arith.mulf %gather3A_323, %gather3A_324 : vector<16xf32>
        %add3A_326 = arith.addf %add3A_312, %mul3A_325 : vector<16xf32>
        scf.yield %add3A_319, %add3A_326 : vector<16xf32>, vector<16xf32>
      }
      %scan3A_247 = arith.constant 16 : i32
      %add3A_248 = arith.addf %scan3A_246#0, %scan3A_246#1 : vector<16xf32>
      %mul3A_249 = arith.constant 16 : i32
      %mul3A_250 = arith.muli %scan3A_234, %mul3A_249 : i32
      %add3A_251 = arith.constant 64 : i32
      %add3A_252 = arith.addi %add3A_251, %mul3A_250 : i32
      %get3A = arith.index_cast %add3A_252 : i32 to index
      %get3A_253 = tpu.vector_load %arg23[%get3A] {strides = array<i32>} : memref<512xf32, #tpu.memory_space<vmem>>, vector<16xf32>,
      %get3A_254 = arith.index_cast %add3A_252 : i32 to index
      %get3A_255 = tpu.vector_load %arg24[%get3A_254] {strides = array<i32>} : memref<512xf32, #tpu.memory_space<vmem>>, vector<16xf32>,
      %get3A_256 = arith.index_cast %add3A_252 : i32 to index
      %get3A_257 = tpu.vector_load %arg13[%get3A_256] {strides = array<i32>} : memref<512xf32, #tpu.memory_space<vmem>>, vector<16xf32>,
      %get3A_258 = arith.index_cast %add3A_252 : i32 to index
      %get3A_259 = tpu.vector_load %arg14[%get3A_258] {strides = array<i32>} : memref<512xf32, #tpu.memory_space<vmem>>, vector<16xf32>,
      %add3A_260 = arith.addf %add3A_248, %get3A_253 : vector<16xf32>
      %add3A_261 = arith.addf %add3A_260, %get3A_255 : vector<16xf32>
      %sub3A = arith.subf %add3A_261, %get3A_257 : vector<16xf32>
      %mul3A_262 = arith.mulf %get3A_259, %sub3A : vector<16xf32>
      %mul3A_263 = arith.mulf %mul3A_262, %sub3A : vector<16xf32>
      %add3A_264 = arith.addf %scan3A_235, %mul3A_263 : vector<16xf32>
      scf.yield %add3A_264 : vector<16xf32>
    }
    %scan3A_106 = arith.constant 4 : i32
    %dma_start3A_107 = arith.constant 320 : i32
    %dma_start3A_108 = tpu.memref_slice %arg11[%dma_start3A_107] : memref<512xi32, #tpu.memory_space<vmem>> -> memref<64xi32, #tpu.memory_space<vmem>>
    %dma_start3A_109 = arith.constant 0 : i32
    %dma_start3A_110 = arith.constant 0 : i32
    %dma_start3A_111 = tpu.memref_slice %arg6[%dma_start3A_109, %dma_start3A_110] : memref<100000x128xf32, #tpu.memory_space<hbm>> -> memref<100000x128xf32, #tpu.memory_space<hbm>>
    tpu.enqueue_indirect_dma source(%dma_start3A_111 : memref<100000x128xf32, #tpu.memory_space<hbm>>) target(%arg16 : memref<64x128xf32, #tpu.memory_space<vmem>>) offsets(%dma_start3A_108 : memref<64xi32, #tpu.memory_space<vmem>>) semaphore(%arg27 : memref<!tpu.dma_semaphore, #tpu.memory_space<semaphore_mem>>)
    %dma_start3A_112 = arith.constant 320 : i32
    %dma_start3A_113 = tpu.memref_slice %arg12[%dma_start3A_112] : memref<512xi32, #tpu.memory_space<vmem>> -> memref<64xi32, #tpu.memory_space<vmem>>
    %dma_start3A_114 = arith.constant 0 : i32
    %dma_start3A_115 = arith.constant 0 : i32
    %dma_start3A_116 = tpu.memref_slice %arg7[%dma_start3A_114, %dma_start3A_115] : memref<100000x128xf32, #tpu.memory_space<hbm>> -> memref<100000x128xf32, #tpu.memory_space<hbm>>
    tpu.enqueue_indirect_dma source(%dma_start3A_116 : memref<100000x128xf32, #tpu.memory_space<hbm>>) target(%arg20 : memref<64x128xf32, #tpu.memory_space<vmem>>) offsets(%dma_start3A_113 : memref<64xi32, #tpu.memory_space<vmem>>) semaphore(%arg27 : memref<!tpu.dma_semaphore, #tpu.memory_space<semaphore_mem>>)
    %dma_wait3A_117 = arith.constant 128 : i32
    %dma_wait3A_118 = tpu.memref_slice %arg11[%dma_wait3A_117] : memref<512xi32, #tpu.memory_space<vmem>> -> memref<64xi32, #tpu.memory_space<vmem>>
    %dma_wait3A_119 = arith.constant 0 : i32
    %dma_wait3A_120 = arith.constant 0 : i32
    %dma_wait3A_121 = tpu.memref_slice %arg6[%dma_wait3A_119, %dma_wait3A_120] : memref<100000x128xf32, #tpu.memory_space<hbm>> -> memref<100000x128xf32, #tpu.memory_space<hbm>>
    tpu.wait_indirect_dma semaphore(%arg28 : memref<!tpu.dma_semaphore, #tpu.memory_space<semaphore_mem>>) src(%dma_wait3A_121 : memref<100000x128xf32, #tpu.memory_space<hbm>>) dst(%arg17 : memref<64x128xf32, #tpu.memory_space<vmem>>)
    %dma_wait3A_122 = arith.constant 128 : i32
    %dma_wait3A_123 = tpu.memref_slice %arg12[%dma_wait3A_122] : memref<512xi32, #tpu.memory_space<vmem>> -> memref<64xi32, #tpu.memory_space<vmem>>
    %dma_wait3A_124 = arith.constant 0 : i32
    %dma_wait3A_125 = arith.constant 0 : i32
    %dma_wait3A_126 = tpu.memref_slice %arg7[%dma_wait3A_124, %dma_wait3A_125] : memref<100000x128xf32, #tpu.memory_space<hbm>> -> memref<100000x128xf32, #tpu.memory_space<hbm>>
    tpu.wait_indirect_dma semaphore(%arg28 : memref<!tpu.dma_semaphore, #tpu.memory_space<semaphore_mem>>) src(%dma_wait3A_126 : memref<100000x128xf32, #tpu.memory_space<hbm>>) dst(%arg21 : memref<64x128xf32, #tpu.memory_space<vmem>>)
    %scan3A_127 = arith.constant 0 : i32
    %scan3A_128 = arith.constant 4 : i32
    %scan3A_129 = arith.addi %scan3A_127, %scan3A_128 : i32
    %scan3A_130 = arith.constant 1 : i32
    %scan3A_131 = scf.for %scan3A_234 = %scan3A_127 to %scan3A_129 step %scan3A_130 iter_args(%scan3A_235 = %scan3A_105) -> (vector<16xf32>)  : i32 {
      %mul3A_236 = arith.constant 16 : i32
      %mul3A_237 = arith.muli %scan3A_234, %mul3A_236 : i32
      %add3A_238 = vector.broadcast %mul3A_237 : i32 to vector<16xi32>
      %add3A_239 = arith.addi %add3A_238, %iota3A : vector<16xi32>
      %broadcast_in_dim3A_240 = arith.constant 0.000000e+00 : f32
      %broadcast_in_dim3A_241 = vector.broadcast %broadcast_in_dim3A_240 : f32 to vector<16xf32>
      %scan3A_242 = arith.constant 0 : i32
      %scan3A_243 = arith.constant 16 : i32
      %scan3A_244 = arith.addi %scan3A_242, %scan3A_243 : i32
      %scan3A_245 = arith.constant 1 : i32
      %scan3A_246:2 = scf.for %scan3A_265 = %scan3A_242 to %scan3A_244 step %scan3A_245 iter_args(%scan3A_266 = %broadcast_in_dim3A_241, %scan3A_267 = %broadcast_in_dim3A_241) -> (vector<16xf32>, vector<16xf32>)  : i32 {
        %add3A_268 = vector.broadcast %scan3A_265 : i32 to vector<16xi32>
        %add3A_269 = arith.addi %iota3A, %add3A_268 : vector<16xi32>
        %and3A = arith.constant 15 : i32
        %and3A_270 = vector.broadcast %and3A : i32 to vector<16xi32>
        %and3A_271 = arith.andi %add3A_269, %and3A_270 : vector<16xi32>
        %add3A_272 = arith.constant 0 : i32
        %add3A_273 = vector.broadcast %add3A_272 : i32 to vector<16xi32>
        %add3A_274 = arith.addi %and3A_271, %add3A_273 : vector<16xi32>
        %gather3A = tpu.vector_load_idx %arg17[%add3A_239, %add3A_274] : memref<64x128xf32, #tpu.memory_space<vmem>>[vector<16xi32>, vector<16xi32>], vector<16xf32>,
        %gather3A_275 = tpu.vector_load_idx %arg21[%add3A_239, %add3A_274] : memref<64x128xf32, #tpu.memory_space<vmem>>[vector<16xi32>, vector<16xi32>], vector<16xf32>,
        %mul3A_276 = arith.mulf %gather3A, %gather3A_275 : vector<16xf32>
        %add3A_277 = arith.addf %scan3A_266, %mul3A_276 : vector<16xf32>
        %add3A_278 = arith.constant 16 : i32
        %add3A_279 = vector.broadcast %add3A_278 : i32 to vector<16xi32>
        %add3A_280 = arith.addi %and3A_271, %add3A_279 : vector<16xi32>
        %gather3A_281 = tpu.vector_load_idx %arg17[%add3A_239, %add3A_280] : memref<64x128xf32, #tpu.memory_space<vmem>>[vector<16xi32>, vector<16xi32>], vector<16xf32>,
        %gather3A_282 = tpu.vector_load_idx %arg21[%add3A_239, %add3A_280] : memref<64x128xf32, #tpu.memory_space<vmem>>[vector<16xi32>, vector<16xi32>], vector<16xf32>,
        %mul3A_283 = arith.mulf %gather3A_281, %gather3A_282 : vector<16xf32>
        %add3A_284 = arith.addf %scan3A_267, %mul3A_283 : vector<16xf32>
        %add3A_285 = arith.constant 32 : i32
        %add3A_286 = vector.broadcast %add3A_285 : i32 to vector<16xi32>
        %add3A_287 = arith.addi %and3A_271, %add3A_286 : vector<16xi32>
        %gather3A_288 = tpu.vector_load_idx %arg17[%add3A_239, %add3A_287] : memref<64x128xf32, #tpu.memory_space<vmem>>[vector<16xi32>, vector<16xi32>], vector<16xf32>,
        %gather3A_289 = tpu.vector_load_idx %arg21[%add3A_239, %add3A_287] : memref<64x128xf32, #tpu.memory_space<vmem>>[vector<16xi32>, vector<16xi32>], vector<16xf32>,
        %mul3A_290 = arith.mulf %gather3A_288, %gather3A_289 : vector<16xf32>
        %add3A_291 = arith.addf %add3A_277, %mul3A_290 : vector<16xf32>
        %add3A_292 = arith.constant 48 : i32
        %add3A_293 = vector.broadcast %add3A_292 : i32 to vector<16xi32>
        %add3A_294 = arith.addi %and3A_271, %add3A_293 : vector<16xi32>
        %gather3A_295 = tpu.vector_load_idx %arg17[%add3A_239, %add3A_294] : memref<64x128xf32, #tpu.memory_space<vmem>>[vector<16xi32>, vector<16xi32>], vector<16xf32>,
        %gather3A_296 = tpu.vector_load_idx %arg21[%add3A_239, %add3A_294] : memref<64x128xf32, #tpu.memory_space<vmem>>[vector<16xi32>, vector<16xi32>], vector<16xf32>,
        %mul3A_297 = arith.mulf %gather3A_295, %gather3A_296 : vector<16xf32>
        %add3A_298 = arith.addf %add3A_284, %mul3A_297 : vector<16xf32>
        %add3A_299 = arith.constant 64 : i32
        %add3A_300 = vector.broadcast %add3A_299 : i32 to vector<16xi32>
        %add3A_301 = arith.addi %and3A_271, %add3A_300 : vector<16xi32>
        %gather3A_302 = tpu.vector_load_idx %arg17[%add3A_239, %add3A_301] : memref<64x128xf32, #tpu.memory_space<vmem>>[vector<16xi32>, vector<16xi32>], vector<16xf32>,
        %gather3A_303 = tpu.vector_load_idx %arg21[%add3A_239, %add3A_301] : memref<64x128xf32, #tpu.memory_space<vmem>>[vector<16xi32>, vector<16xi32>], vector<16xf32>,
        %mul3A_304 = arith.mulf %gather3A_302, %gather3A_303 : vector<16xf32>
        %add3A_305 = arith.addf %add3A_291, %mul3A_304 : vector<16xf32>
        %add3A_306 = arith.constant 80 : i32
        %add3A_307 = vector.broadcast %add3A_306 : i32 to vector<16xi32>
        %add3A_308 = arith.addi %and3A_271, %add3A_307 : vector<16xi32>
        %gather3A_309 = tpu.vector_load_idx %arg17[%add3A_239, %add3A_308] : memref<64x128xf32, #tpu.memory_space<vmem>>[vector<16xi32>, vector<16xi32>], vector<16xf32>,
        %gather3A_310 = tpu.vector_load_idx %arg21[%add3A_239, %add3A_308] : memref<64x128xf32, #tpu.memory_space<vmem>>[vector<16xi32>, vector<16xi32>], vector<16xf32>,
        %mul3A_311 = arith.mulf %gather3A_309, %gather3A_310 : vector<16xf32>
        %add3A_312 = arith.addf %add3A_298, %mul3A_311 : vector<16xf32>
        %add3A_313 = arith.constant 96 : i32
        %add3A_314 = vector.broadcast %add3A_313 : i32 to vector<16xi32>
        %add3A_315 = arith.addi %and3A_271, %add3A_314 : vector<16xi32>
        %gather3A_316 = tpu.vector_load_idx %arg17[%add3A_239, %add3A_315] : memref<64x128xf32, #tpu.memory_space<vmem>>[vector<16xi32>, vector<16xi32>], vector<16xf32>,
        %gather3A_317 = tpu.vector_load_idx %arg21[%add3A_239, %add3A_315] : memref<64x128xf32, #tpu.memory_space<vmem>>[vector<16xi32>, vector<16xi32>], vector<16xf32>,
        %mul3A_318 = arith.mulf %gather3A_316, %gather3A_317 : vector<16xf32>
        %add3A_319 = arith.addf %add3A_305, %mul3A_318 : vector<16xf32>
        %add3A_320 = arith.constant 112 : i32
        %add3A_321 = vector.broadcast %add3A_320 : i32 to vector<16xi32>
        %add3A_322 = arith.addi %and3A_271, %add3A_321 : vector<16xi32>
        %gather3A_323 = tpu.vector_load_idx %arg17[%add3A_239, %add3A_322] : memref<64x128xf32, #tpu.memory_space<vmem>>[vector<16xi32>, vector<16xi32>], vector<16xf32>,
        %gather3A_324 = tpu.vector_load_idx %arg21[%add3A_239, %add3A_322] : memref<64x128xf32, #tpu.memory_space<vmem>>[vector<16xi32>, vector<16xi32>], vector<16xf32>,
        %mul3A_325 = arith.mulf %gather3A_323, %gather3A_324 : vector<16xf32>
        %add3A_326 = arith.addf %add3A_312, %mul3A_325 : vector<16xf32>
        scf.yield %add3A_319, %add3A_326 : vector<16xf32>, vector<16xf32>
      }
      %scan3A_247 = arith.constant 16 : i32
      %add3A_248 = arith.addf %scan3A_246#0, %scan3A_246#1 : vector<16xf32>
      %mul3A_249 = arith.constant 16 : i32
      %mul3A_250 = arith.muli %scan3A_234, %mul3A_249 : i32
      %add3A_251 = arith.constant 128 : i32
      %add3A_252 = arith.addi %add3A_251, %mul3A_250 : i32
      %get3A = arith.index_cast %add3A_252 : i32 to index
      %get3A_253 = tpu.vector_load %arg23[%get3A] {strides = array<i32>} : memref<512xf32, #tpu.memory_space<vmem>>, vector<16xf32>,
      %get3A_254 = arith.index_cast %add3A_252 : i32 to index
      %get3A_255 = tpu.vector_load %arg24[%get3A_254] {strides = array<i32>} : memref<512xf32, #tpu.memory_space<vmem>>, vector<16xf32>,
      %get3A_256 = arith.index_cast %add3A_252 : i32 to index
      %get3A_257 = tpu.vector_load %arg13[%get3A_256] {strides = array<i32>} : memref<512xf32, #tpu.memory_space<vmem>>, vector<16xf32>,
      %get3A_258 = arith.index_cast %add3A_252 : i32 to index
      %get3A_259 = tpu.vector_load %arg14[%get3A_258] {strides = array<i32>} : memref<512xf32, #tpu.memory_space<vmem>>, vector<16xf32>,
      %add3A_260 = arith.addf %add3A_248, %get3A_253 : vector<16xf32>
      %add3A_261 = arith.addf %add3A_260, %get3A_255 : vector<16xf32>
      %sub3A = arith.subf %add3A_261, %get3A_257 : vector<16xf32>
      %mul3A_262 = arith.mulf %get3A_259, %sub3A : vector<16xf32>
      %mul3A_263 = arith.mulf %mul3A_262, %sub3A : vector<16xf32>
      %add3A_264 = arith.addf %scan3A_235, %mul3A_263 : vector<16xf32>
      scf.yield %add3A_264 : vector<16xf32>
    }
    %scan3A_132 = arith.constant 4 : i32
    %dma_start3A_133 = arith.constant 384 : i32
    %dma_start3A_134 = tpu.memref_slice %arg11[%dma_start3A_133] : memref<512xi32, #tpu.memory_space<vmem>> -> memref<64xi32, #tpu.memory_space<vmem>>
    %dma_start3A_135 = arith.constant 0 : i32
    %dma_start3A_136 = arith.constant 0 : i32
    %dma_start3A_137 = tpu.memref_slice %arg6[%dma_start3A_135, %dma_start3A_136] : memref<100000x128xf32, #tpu.memory_space<hbm>> -> memref<100000x128xf32, #tpu.memory_space<hbm>>
    tpu.enqueue_indirect_dma source(%dma_start3A_137 : memref<100000x128xf32, #tpu.memory_space<hbm>>) target(%arg17 : memref<64x128xf32, #tpu.memory_space<vmem>>) offsets(%dma_start3A_134 : memref<64xi32, #tpu.memory_space<vmem>>) semaphore(%arg28 : memref<!tpu.dma_semaphore, #tpu.memory_space<semaphore_mem>>)
    %dma_start3A_138 = arith.constant 384 : i32
    %dma_start3A_139 = tpu.memref_slice %arg12[%dma_start3A_138] : memref<512xi32, #tpu.memory_space<vmem>> -> memref<64xi32, #tpu.memory_space<vmem>>
    %dma_start3A_140 = arith.constant 0 : i32
    %dma_start3A_141 = arith.constant 0 : i32
    %dma_start3A_142 = tpu.memref_slice %arg7[%dma_start3A_140, %dma_start3A_141] : memref<100000x128xf32, #tpu.memory_space<hbm>> -> memref<100000x128xf32, #tpu.memory_space<hbm>>
    tpu.enqueue_indirect_dma source(%dma_start3A_142 : memref<100000x128xf32, #tpu.memory_space<hbm>>) target(%arg21 : memref<64x128xf32, #tpu.memory_space<vmem>>) offsets(%dma_start3A_139 : memref<64xi32, #tpu.memory_space<vmem>>) semaphore(%arg28 : memref<!tpu.dma_semaphore, #tpu.memory_space<semaphore_mem>>)
    %dma_wait3A_143 = arith.constant 192 : i32
    %dma_wait3A_144 = tpu.memref_slice %arg11[%dma_wait3A_143] : memref<512xi32, #tpu.memory_space<vmem>> -> memref<64xi32, #tpu.memory_space<vmem>>
    %dma_wait3A_145 = arith.constant 0 : i32
    %dma_wait3A_146 = arith.constant 0 : i32
    %dma_wait3A_147 = tpu.memref_slice %arg6[%dma_wait3A_145, %dma_wait3A_146] : memref<100000x128xf32, #tpu.memory_space<hbm>> -> memref<100000x128xf32, #tpu.memory_space<hbm>>
    tpu.wait_indirect_dma semaphore(%arg29 : memref<!tpu.dma_semaphore, #tpu.memory_space<semaphore_mem>>) src(%dma_wait3A_147 : memref<100000x128xf32, #tpu.memory_space<hbm>>) dst(%arg18 : memref<64x128xf32, #tpu.memory_space<vmem>>)
    %dma_wait3A_148 = arith.constant 192 : i32
    %dma_wait3A_149 = tpu.memref_slice %arg12[%dma_wait3A_148] : memref<512xi32, #tpu.memory_space<vmem>> -> memref<64xi32, #tpu.memory_space<vmem>>
    %dma_wait3A_150 = arith.constant 0 : i32
    %dma_wait3A_151 = arith.constant 0 : i32
    %dma_wait3A_152 = tpu.memref_slice %arg7[%dma_wait3A_150, %dma_wait3A_151] : memref<100000x128xf32, #tpu.memory_space<hbm>> -> memref<100000x128xf32, #tpu.memory_space<hbm>>
    tpu.wait_indirect_dma semaphore(%arg29 : memref<!tpu.dma_semaphore, #tpu.memory_space<semaphore_mem>>) src(%dma_wait3A_152 : memref<100000x128xf32, #tpu.memory_space<hbm>>) dst(%arg22 : memref<64x128xf32, #tpu.memory_space<vmem>>)
    %scan3A_153 = arith.constant 0 : i32
    %scan3A_154 = arith.constant 4 : i32
    %scan3A_155 = arith.addi %scan3A_153, %scan3A_154 : i32
    %scan3A_156 = arith.constant 1 : i32
    %scan3A_157 = scf.for %scan3A_234 = %scan3A_153 to %scan3A_155 step %scan3A_156 iter_args(%scan3A_235 = %scan3A_131) -> (vector<16xf32>)  : i32 {
      %mul3A_236 = arith.constant 16 : i32
      %mul3A_237 = arith.muli %scan3A_234, %mul3A_236 : i32
      %add3A_238 = vector.broadcast %mul3A_237 : i32 to vector<16xi32>
      %add3A_239 = arith.addi %add3A_238, %iota3A : vector<16xi32>
      %broadcast_in_dim3A_240 = arith.constant 0.000000e+00 : f32
      %broadcast_in_dim3A_241 = vector.broadcast %broadcast_in_dim3A_240 : f32 to vector<16xf32>
      %scan3A_242 = arith.constant 0 : i32
      %scan3A_243 = arith.constant 16 : i32
      %scan3A_244 = arith.addi %scan3A_242, %scan3A_243 : i32
      %scan3A_245 = arith.constant 1 : i32
      %scan3A_246:2 = scf.for %scan3A_265 = %scan3A_242 to %scan3A_244 step %scan3A_245 iter_args(%scan3A_266 = %broadcast_in_dim3A_241, %scan3A_267 = %broadcast_in_dim3A_241) -> (vector<16xf32>, vector<16xf32>)  : i32 {
        %add3A_268 = vector.broadcast %scan3A_265 : i32 to vector<16xi32>
        %add3A_269 = arith.addi %iota3A, %add3A_268 : vector<16xi32>
        %and3A = arith.constant 15 : i32
        %and3A_270 = vector.broadcast %and3A : i32 to vector<16xi32>
        %and3A_271 = arith.andi %add3A_269, %and3A_270 : vector<16xi32>
        %add3A_272 = arith.constant 0 : i32
        %add3A_273 = vector.broadcast %add3A_272 : i32 to vector<16xi32>
        %add3A_274 = arith.addi %and3A_271, %add3A_273 : vector<16xi32>
        %gather3A = tpu.vector_load_idx %arg18[%add3A_239, %add3A_274] : memref<64x128xf32, #tpu.memory_space<vmem>>[vector<16xi32>, vector<16xi32>], vector<16xf32>,
        %gather3A_275 = tpu.vector_load_idx %arg22[%add3A_239, %add3A_274] : memref<64x128xf32, #tpu.memory_space<vmem>>[vector<16xi32>, vector<16xi32>], vector<16xf32>,
        %mul3A_276 = arith.mulf %gather3A, %gather3A_275 : vector<16xf32>
        %add3A_277 = arith.addf %scan3A_266, %mul3A_276 : vector<16xf32>
        %add3A_278 = arith.constant 16 : i32
        %add3A_279 = vector.broadcast %add3A_278 : i32 to vector<16xi32>
        %add3A_280 = arith.addi %and3A_271, %add3A_279 : vector<16xi32>
        %gather3A_281 = tpu.vector_load_idx %arg18[%add3A_239, %add3A_280] : memref<64x128xf32, #tpu.memory_space<vmem>>[vector<16xi32>, vector<16xi32>], vector<16xf32>,
        %gather3A_282 = tpu.vector_load_idx %arg22[%add3A_239, %add3A_280] : memref<64x128xf32, #tpu.memory_space<vmem>>[vector<16xi32>, vector<16xi32>], vector<16xf32>,
        %mul3A_283 = arith.mulf %gather3A_281, %gather3A_282 : vector<16xf32>
        %add3A_284 = arith.addf %scan3A_267, %mul3A_283 : vector<16xf32>
        %add3A_285 = arith.constant 32 : i32
        %add3A_286 = vector.broadcast %add3A_285 : i32 to vector<16xi32>
        %add3A_287 = arith.addi %and3A_271, %add3A_286 : vector<16xi32>
        %gather3A_288 = tpu.vector_load_idx %arg18[%add3A_239, %add3A_287] : memref<64x128xf32, #tpu.memory_space<vmem>>[vector<16xi32>, vector<16xi32>], vector<16xf32>,
        %gather3A_289 = tpu.vector_load_idx %arg22[%add3A_239, %add3A_287] : memref<64x128xf32, #tpu.memory_space<vmem>>[vector<16xi32>, vector<16xi32>], vector<16xf32>,
        %mul3A_290 = arith.mulf %gather3A_288, %gather3A_289 : vector<16xf32>
        %add3A_291 = arith.addf %add3A_277, %mul3A_290 : vector<16xf32>
        %add3A_292 = arith.constant 48 : i32
        %add3A_293 = vector.broadcast %add3A_292 : i32 to vector<16xi32>
        %add3A_294 = arith.addi %and3A_271, %add3A_293 : vector<16xi32>
        %gather3A_295 = tpu.vector_load_idx %arg18[%add3A_239, %add3A_294] : memref<64x128xf32, #tpu.memory_space<vmem>>[vector<16xi32>, vector<16xi32>], vector<16xf32>,
        %gather3A_296 = tpu.vector_load_idx %arg22[%add3A_239, %add3A_294] : memref<64x128xf32, #tpu.memory_space<vmem>>[vector<16xi32>, vector<16xi32>], vector<16xf32>,
        %mul3A_297 = arith.mulf %gather3A_295, %gather3A_296 : vector<16xf32>
        %add3A_298 = arith.addf %add3A_284, %mul3A_297 : vector<16xf32>
        %add3A_299 = arith.constant 64 : i32
        %add3A_300 = vector.broadcast %add3A_299 : i32 to vector<16xi32>
        %add3A_301 = arith.addi %and3A_271, %add3A_300 : vector<16xi32>
        %gather3A_302 = tpu.vector_load_idx %arg18[%add3A_239, %add3A_301] : memref<64x128xf32, #tpu.memory_space<vmem>>[vector<16xi32>, vector<16xi32>], vector<16xf32>,
        %gather3A_303 = tpu.vector_load_idx %arg22[%add3A_239, %add3A_301] : memref<64x128xf32, #tpu.memory_space<vmem>>[vector<16xi32>, vector<16xi32>], vector<16xf32>,
        %mul3A_304 = arith.mulf %gather3A_302, %gather3A_303 : vector<16xf32>
        %add3A_305 = arith.addf %add3A_291, %mul3A_304 : vector<16xf32>
        %add3A_306 = arith.constant 80 : i32
        %add3A_307 = vector.broadcast %add3A_306 : i32 to vector<16xi32>
        %add3A_308 = arith.addi %and3A_271, %add3A_307 : vector<16xi32>
        %gather3A_309 = tpu.vector_load_idx %arg18[%add3A_239, %add3A_308] : memref<64x128xf32, #tpu.memory_space<vmem>>[vector<16xi32>, vector<16xi32>], vector<16xf32>,
        %gather3A_310 = tpu.vector_load_idx %arg22[%add3A_239, %add3A_308] : memref<64x128xf32, #tpu.memory_space<vmem>>[vector<16xi32>, vector<16xi32>], vector<16xf32>,
        %mul3A_311 = arith.mulf %gather3A_309, %gather3A_310 : vector<16xf32>
        %add3A_312 = arith.addf %add3A_298, %mul3A_311 : vector<16xf32>
        %add3A_313 = arith.constant 96 : i32
        %add3A_314 = vector.broadcast %add3A_313 : i32 to vector<16xi32>
        %add3A_315 = arith.addi %and3A_271, %add3A_314 : vector<16xi32>
        %gather3A_316 = tpu.vector_load_idx %arg18[%add3A_239, %add3A_315] : memref<64x128xf32, #tpu.memory_space<vmem>>[vector<16xi32>, vector<16xi32>], vector<16xf32>,
        %gather3A_317 = tpu.vector_load_idx %arg22[%add3A_239, %add3A_315] : memref<64x128xf32, #tpu.memory_space<vmem>>[vector<16xi32>, vector<16xi32>], vector<16xf32>,
        %mul3A_318 = arith.mulf %gather3A_316, %gather3A_317 : vector<16xf32>
        %add3A_319 = arith.addf %add3A_305, %mul3A_318 : vector<16xf32>
        %add3A_320 = arith.constant 112 : i32
        %add3A_321 = vector.broadcast %add3A_320 : i32 to vector<16xi32>
        %add3A_322 = arith.addi %and3A_271, %add3A_321 : vector<16xi32>
        %gather3A_323 = tpu.vector_load_idx %arg18[%add3A_239, %add3A_322] : memref<64x128xf32, #tpu.memory_space<vmem>>[vector<16xi32>, vector<16xi32>], vector<16xf32>,
        %gather3A_324 = tpu.vector_load_idx %arg22[%add3A_239, %add3A_322] : memref<64x128xf32, #tpu.memory_space<vmem>>[vector<16xi32>, vector<16xi32>], vector<16xf32>,
        %mul3A_325 = arith.mulf %gather3A_323, %gather3A_324 : vector<16xf32>
        %add3A_326 = arith.addf %add3A_312, %mul3A_325 : vector<16xf32>
        scf.yield %add3A_319, %add3A_326 : vector<16xf32>, vector<16xf32>
      }
      %scan3A_247 = arith.constant 16 : i32
      %add3A_248 = arith.addf %scan3A_246#0, %scan3A_246#1 : vector<16xf32>
      %mul3A_249 = arith.constant 16 : i32
      %mul3A_250 = arith.muli %scan3A_234, %mul3A_249 : i32
      %add3A_251 = arith.constant 192 : i32
      %add3A_252 = arith.addi %add3A_251, %mul3A_250 : i32
      %get3A = arith.index_cast %add3A_252 : i32 to index
      %get3A_253 = tpu.vector_load %arg23[%get3A] {strides = array<i32>} : memref<512xf32, #tpu.memory_space<vmem>>, vector<16xf32>,
      %get3A_254 = arith.index_cast %add3A_252 : i32 to index
      %get3A_255 = tpu.vector_load %arg24[%get3A_254] {strides = array<i32>} : memref<512xf32, #tpu.memory_space<vmem>>, vector<16xf32>,
      %get3A_256 = arith.index_cast %add3A_252 : i32 to index
      %get3A_257 = tpu.vector_load %arg13[%get3A_256] {strides = array<i32>} : memref<512xf32, #tpu.memory_space<vmem>>, vector<16xf32>,
      %get3A_258 = arith.index_cast %add3A_252 : i32 to index
      %get3A_259 = tpu.vector_load %arg14[%get3A_258] {strides = array<i32>} : memref<512xf32, #tpu.memory_space<vmem>>, vector<16xf32>,
      %add3A_260 = arith.addf %add3A_248, %get3A_253 : vector<16xf32>
      %add3A_261 = arith.addf %add3A_260, %get3A_255 : vector<16xf32>
      %sub3A = arith.subf %add3A_261, %get3A_257 : vector<16xf32>
      %mul3A_262 = arith.mulf %get3A_259, %sub3A : vector<16xf32>
      %mul3A_263 = arith.mulf %mul3A_262, %sub3A : vector<16xf32>
      %add3A_264 = arith.addf %scan3A_235, %mul3A_263 : vector<16xf32>
      scf.yield %add3A_264 : vector<16xf32>
    }
    %scan3A_158 = arith.constant 4 : i32
    %dma_start3A_159 = arith.constant 448 : i32
    %dma_start3A_160 = tpu.memref_slice %arg11[%dma_start3A_159] : memref<512xi32, #tpu.memory_space<vmem>> -> memref<64xi32, #tpu.memory_space<vmem>>
    %dma_start3A_161 = arith.constant 0 : i32
    %dma_start3A_162 = arith.constant 0 : i32
    %dma_start3A_163 = tpu.memref_slice %arg6[%dma_start3A_161, %dma_start3A_162] : memref<100000x128xf32, #tpu.memory_space<hbm>> -> memref<100000x128xf32, #tpu.memory_space<hbm>>
    tpu.enqueue_indirect_dma source(%dma_start3A_163 : memref<100000x128xf32, #tpu.memory_space<hbm>>) target(%arg18 : memref<64x128xf32, #tpu.memory_space<vmem>>) offsets(%dma_start3A_160 : memref<64xi32, #tpu.memory_space<vmem>>) semaphore(%arg29 : memref<!tpu.dma_semaphore, #tpu.memory_space<semaphore_mem>>)
    %dma_start3A_164 = arith.constant 448 : i32
    %dma_start3A_165 = tpu.memref_slice %arg12[%dma_start3A_164] : memref<512xi32, #tpu.memory_space<vmem>> -> memref<64xi32, #tpu.memory_space<vmem>>
    %dma_start3A_166 = arith.constant 0 : i32
    %dma_start3A_167 = arith.constant 0 : i32
    %dma_start3A_168 = tpu.memref_slice %arg7[%dma_start3A_166, %dma_start3A_167] : memref<100000x128xf32, #tpu.memory_space<hbm>> -> memref<100000x128xf32, #tpu.memory_space<hbm>>
    tpu.enqueue_indirect_dma source(%dma_start3A_168 : memref<100000x128xf32, #tpu.memory_space<hbm>>) target(%arg22 : memref<64x128xf32, #tpu.memory_space<vmem>>) offsets(%dma_start3A_165 : memref<64xi32, #tpu.memory_space<vmem>>) semaphore(%arg29 : memref<!tpu.dma_semaphore, #tpu.memory_space<semaphore_mem>>)
    %dma_wait3A_169 = arith.constant 256 : i32
    %dma_wait3A_170 = tpu.memref_slice %arg11[%dma_wait3A_169] : memref<512xi32, #tpu.memory_space<vmem>> -> memref<64xi32, #tpu.memory_space<vmem>>
    %dma_wait3A_171 = arith.constant 0 : i32
    %dma_wait3A_172 = arith.constant 0 : i32
    %dma_wait3A_173 = tpu.memref_slice %arg6[%dma_wait3A_171, %dma_wait3A_172] : memref<100000x128xf32, #tpu.memory_space<hbm>> -> memref<100000x128xf32, #tpu.memory_space<hbm>>
    tpu.wait_indirect_dma semaphore(%arg26 : memref<!tpu.dma_semaphore, #tpu.memory_space<semaphore_mem>>) src(%dma_wait3A_173 : memref<100000x128xf32, #tpu.memory_space<hbm>>) dst(%arg15 : memref<64x128xf32, #tpu.memory_space<vmem>>)
    %dma_wait3A_174 = arith.constant 256 : i32
    %dma_wait3A_175 = tpu.memref_slice %arg12[%dma_wait3A_174] : memref<512xi32, #tpu.memory_space<vmem>> -> memref<64xi32, #tpu.memory_space<vmem>>
    %dma_wait3A_176 = arith.constant 0 : i32
    %dma_wait3A_177 = arith.constant 0 : i32
    %dma_wait3A_178 = tpu.memref_slice %arg7[%dma_wait3A_176, %dma_wait3A_177] : memref<100000x128xf32, #tpu.memory_space<hbm>> -> memref<100000x128xf32, #tpu.memory_space<hbm>>
    tpu.wait_indirect_dma semaphore(%arg26 : memref<!tpu.dma_semaphore, #tpu.memory_space<semaphore_mem>>) src(%dma_wait3A_178 : memref<100000x128xf32, #tpu.memory_space<hbm>>) dst(%arg19 : memref<64x128xf32, #tpu.memory_space<vmem>>)
    %scan3A_179 = arith.constant 0 : i32
    %scan3A_180 = arith.constant 4 : i32
    %scan3A_181 = arith.addi %scan3A_179, %scan3A_180 : i32
    %scan3A_182 = arith.constant 1 : i32
    %scan3A_183 = scf.for %scan3A_234 = %scan3A_179 to %scan3A_181 step %scan3A_182 iter_args(%scan3A_235 = %scan3A_157) -> (vector<16xf32>)  : i32 {
      %mul3A_236 = arith.constant 16 : i32
      %mul3A_237 = arith.muli %scan3A_234, %mul3A_236 : i32
      %add3A_238 = vector.broadcast %mul3A_237 : i32 to vector<16xi32>
      %add3A_239 = arith.addi %add3A_238, %iota3A : vector<16xi32>
      %broadcast_in_dim3A_240 = arith.constant 0.000000e+00 : f32
      %broadcast_in_dim3A_241 = vector.broadcast %broadcast_in_dim3A_240 : f32 to vector<16xf32>
      %scan3A_242 = arith.constant 0 : i32
      %scan3A_243 = arith.constant 16 : i32
      %scan3A_244 = arith.addi %scan3A_242, %scan3A_243 : i32
      %scan3A_245 = arith.constant 1 : i32
      %scan3A_246:2 = scf.for %scan3A_265 = %scan3A_242 to %scan3A_244 step %scan3A_245 iter_args(%scan3A_266 = %broadcast_in_dim3A_241, %scan3A_267 = %broadcast_in_dim3A_241) -> (vector<16xf32>, vector<16xf32>)  : i32 {
        %add3A_268 = vector.broadcast %scan3A_265 : i32 to vector<16xi32>
        %add3A_269 = arith.addi %iota3A, %add3A_268 : vector<16xi32>
        %and3A = arith.constant 15 : i32
        %and3A_270 = vector.broadcast %and3A : i32 to vector<16xi32>
        %and3A_271 = arith.andi %add3A_269, %and3A_270 : vector<16xi32>
        %add3A_272 = arith.constant 0 : i32
        %add3A_273 = vector.broadcast %add3A_272 : i32 to vector<16xi32>
        %add3A_274 = arith.addi %and3A_271, %add3A_273 : vector<16xi32>
        %gather3A = tpu.vector_load_idx %arg15[%add3A_239, %add3A_274] : memref<64x128xf32, #tpu.memory_space<vmem>>[vector<16xi32>, vector<16xi32>], vector<16xf32>,
        %gather3A_275 = tpu.vector_load_idx %arg19[%add3A_239, %add3A_274] : memref<64x128xf32, #tpu.memory_space<vmem>>[vector<16xi32>, vector<16xi32>], vector<16xf32>,
        %mul3A_276 = arith.mulf %gather3A, %gather3A_275 : vector<16xf32>
        %add3A_277 = arith.addf %scan3A_266, %mul3A_276 : vector<16xf32>
        %add3A_278 = arith.constant 16 : i32
        %add3A_279 = vector.broadcast %add3A_278 : i32 to vector<16xi32>
        %add3A_280 = arith.addi %and3A_271, %add3A_279 : vector<16xi32>
        %gather3A_281 = tpu.vector_load_idx %arg15[%add3A_239, %add3A_280] : memref<64x128xf32, #tpu.memory_space<vmem>>[vector<16xi32>, vector<16xi32>], vector<16xf32>,
        %gather3A_282 = tpu.vector_load_idx %arg19[%add3A_239, %add3A_280] : memref<64x128xf32, #tpu.memory_space<vmem>>[vector<16xi32>, vector<16xi32>], vector<16xf32>,
        %mul3A_283 = arith.mulf %gather3A_281, %gather3A_282 : vector<16xf32>
        %add3A_284 = arith.addf %scan3A_267, %mul3A_283 : vector<16xf32>
        %add3A_285 = arith.constant 32 : i32
        %add3A_286 = vector.broadcast %add3A_285 : i32 to vector<16xi32>
        %add3A_287 = arith.addi %and3A_271, %add3A_286 : vector<16xi32>
        %gather3A_288 = tpu.vector_load_idx %arg15[%add3A_239, %add3A_287] : memref<64x128xf32, #tpu.memory_space<vmem>>[vector<16xi32>, vector<16xi32>], vector<16xf32>,
        %gather3A_289 = tpu.vector_load_idx %arg19[%add3A_239, %add3A_287] : memref<64x128xf32, #tpu.memory_space<vmem>>[vector<16xi32>, vector<16xi32>], vector<16xf32>,
        %mul3A_290 = arith.mulf %gather3A_288, %gather3A_289 : vector<16xf32>
        %add3A_291 = arith.addf %add3A_277, %mul3A_290 : vector<16xf32>
        %add3A_292 = arith.constant 48 : i32
        %add3A_293 = vector.broadcast %add3A_292 : i32 to vector<16xi32>
        %add3A_294 = arith.addi %and3A_271, %add3A_293 : vector<16xi32>
        %gather3A_295 = tpu.vector_load_idx %arg15[%add3A_239, %add3A_294] : memref<64x128xf32, #tpu.memory_space<vmem>>[vector<16xi32>, vector<16xi32>], vector<16xf32>,
        %gather3A_296 = tpu.vector_load_idx %arg19[%add3A_239, %add3A_294] : memref<64x128xf32, #tpu.memory_space<vmem>>[vector<16xi32>, vector<16xi32>], vector<16xf32>,
        %mul3A_297 = arith.mulf %gather3A_295, %gather3A_296 : vector<16xf32>
        %add3A_298 = arith.addf %add3A_284, %mul3A_297 : vector<16xf32>
        %add3A_299 = arith.constant 64 : i32
        %add3A_300 = vector.broadcast %add3A_299 : i32 to vector<16xi32>
        %add3A_301 = arith.addi %and3A_271, %add3A_300 : vector<16xi32>
        %gather3A_302 = tpu.vector_load_idx %arg15[%add3A_239, %add3A_301] : memref<64x128xf32, #tpu.memory_space<vmem>>[vector<16xi32>, vector<16xi32>], vector<16xf32>,
        %gather3A_303 = tpu.vector_load_idx %arg19[%add3A_239, %add3A_301] : memref<64x128xf32, #tpu.memory_space<vmem>>[vector<16xi32>, vector<16xi32>], vector<16xf32>,
        %mul3A_304 = arith.mulf %gather3A_302, %gather3A_303 : vector<16xf32>
        %add3A_305 = arith.addf %add3A_291, %mul3A_304 : vector<16xf32>
        %add3A_306 = arith.constant 80 : i32
        %add3A_307 = vector.broadcast %add3A_306 : i32 to vector<16xi32>
        %add3A_308 = arith.addi %and3A_271, %add3A_307 : vector<16xi32>
        %gather3A_309 = tpu.vector_load_idx %arg15[%add3A_239, %add3A_308] : memref<64x128xf32, #tpu.memory_space<vmem>>[vector<16xi32>, vector<16xi32>], vector<16xf32>,
        %gather3A_310 = tpu.vector_load_idx %arg19[%add3A_239, %add3A_308] : memref<64x128xf32, #tpu.memory_space<vmem>>[vector<16xi32>, vector<16xi32>], vector<16xf32>,
        %mul3A_311 = arith.mulf %gather3A_309, %gather3A_310 : vector<16xf32>
        %add3A_312 = arith.addf %add3A_298, %mul3A_311 : vector<16xf32>
        %add3A_313 = arith.constant 96 : i32
        %add3A_314 = vector.broadcast %add3A_313 : i32 to vector<16xi32>
        %add3A_315 = arith.addi %and3A_271, %add3A_314 : vector<16xi32>
        %gather3A_316 = tpu.vector_load_idx %arg15[%add3A_239, %add3A_315] : memref<64x128xf32, #tpu.memory_space<vmem>>[vector<16xi32>, vector<16xi32>], vector<16xf32>,
        %gather3A_317 = tpu.vector_load_idx %arg19[%add3A_239, %add3A_315] : memref<64x128xf32, #tpu.memory_space<vmem>>[vector<16xi32>, vector<16xi32>], vector<16xf32>,
        %mul3A_318 = arith.mulf %gather3A_316, %gather3A_317 : vector<16xf32>
        %add3A_319 = arith.addf %add3A_305, %mul3A_318 : vector<16xf32>
        %add3A_320 = arith.constant 112 : i32
        %add3A_321 = vector.broadcast %add3A_320 : i32 to vector<16xi32>
        %add3A_322 = arith.addi %and3A_271, %add3A_321 : vector<16xi32>
        %gather3A_323 = tpu.vector_load_idx %arg15[%add3A_239, %add3A_322] : memref<64x128xf32, #tpu.memory_space<vmem>>[vector<16xi32>, vector<16xi32>], vector<16xf32>,
        %gather3A_324 = tpu.vector_load_idx %arg19[%add3A_239, %add3A_322] : memref<64x128xf32, #tpu.memory_space<vmem>>[vector<16xi32>, vector<16xi32>], vector<16xf32>,
        %mul3A_325 = arith.mulf %gather3A_323, %gather3A_324 : vector<16xf32>
        %add3A_326 = arith.addf %add3A_312, %mul3A_325 : vector<16xf32>
        scf.yield %add3A_319, %add3A_326 : vector<16xf32>, vector<16xf32>
      }
      %scan3A_247 = arith.constant 16 : i32
      %add3A_248 = arith.addf %scan3A_246#0, %scan3A_246#1 : vector<16xf32>
      %mul3A_249 = arith.constant 16 : i32
      %mul3A_250 = arith.muli %scan3A_234, %mul3A_249 : i32
      %add3A_251 = arith.constant 256 : i32
      %add3A_252 = arith.addi %add3A_251, %mul3A_250 : i32
      %get3A = arith.index_cast %add3A_252 : i32 to index
      %get3A_253 = tpu.vector_load %arg23[%get3A] {strides = array<i32>} : memref<512xf32, #tpu.memory_space<vmem>>, vector<16xf32>,
      %get3A_254 = arith.index_cast %add3A_252 : i32 to index
      %get3A_255 = tpu.vector_load %arg24[%get3A_254] {strides = array<i32>} : memref<512xf32, #tpu.memory_space<vmem>>, vector<16xf32>,
      %get3A_256 = arith.index_cast %add3A_252 : i32 to index
      %get3A_257 = tpu.vector_load %arg13[%get3A_256] {strides = array<i32>} : memref<512xf32, #tpu.memory_space<vmem>>, vector<16xf32>,
      %get3A_258 = arith.index_cast %add3A_252 : i32 to index
      %get3A_259 = tpu.vector_load %arg14[%get3A_258] {strides = array<i32>} : memref<512xf32, #tpu.memory_space<vmem>>, vector<16xf32>,
      %add3A_260 = arith.addf %add3A_248, %get3A_253 : vector<16xf32>
      %add3A_261 = arith.addf %add3A_260, %get3A_255 : vector<16xf32>
      %sub3A = arith.subf %add3A_261, %get3A_257 : vector<16xf32>
      %mul3A_262 = arith.mulf %get3A_259, %sub3A : vector<16xf32>
      %mul3A_263 = arith.mulf %mul3A_262, %sub3A : vector<16xf32>
      %add3A_264 = arith.addf %scan3A_235, %mul3A_263 : vector<16xf32>
      scf.yield %add3A_264 : vector<16xf32>
    }
    %scan3A_184 = arith.constant 4 : i32
    %dma_wait3A_185 = arith.constant 320 : i32
    %dma_wait3A_186 = tpu.memref_slice %arg11[%dma_wait3A_185] : memref<512xi32, #tpu.memory_space<vmem>> -> memref<64xi32, #tpu.memory_space<vmem>>
    %dma_wait3A_187 = arith.constant 0 : i32
    %dma_wait3A_188 = arith.constant 0 : i32
    %dma_wait3A_189 = tpu.memref_slice %arg6[%dma_wait3A_187, %dma_wait3A_188] : memref<100000x128xf32, #tpu.memory_space<hbm>> -> memref<100000x128xf32, #tpu.memory_space<hbm>>
    tpu.wait_indirect_dma semaphore(%arg27 : memref<!tpu.dma_semaphore, #tpu.memory_space<semaphore_mem>>) src(%dma_wait3A_189 : memref<100000x128xf32, #tpu.memory_space<hbm>>) dst(%arg16 : memref<64x128xf32, #tpu.memory_space<vmem>>)
    %dma_wait3A_190 = arith.constant 320 : i32
    %dma_wait3A_191 = tpu.memref_slice %arg12[%dma_wait3A_190] : memref<512xi32, #tpu.memory_space<vmem>> -> memref<64xi32, #tpu.memory_space<vmem>>
    %dma_wait3A_192 = arith.constant 0 : i32
    %dma_wait3A_193 = arith.constant 0 : i32
    %dma_wait3A_194 = tpu.memref_slice %arg7[%dma_wait3A_192, %dma_wait3A_193] : memref<100000x128xf32, #tpu.memory_space<hbm>> -> memref<100000x128xf32, #tpu.memory_space<hbm>>
    tpu.wait_indirect_dma semaphore(%arg27 : memref<!tpu.dma_semaphore, #tpu.memory_space<semaphore_mem>>) src(%dma_wait3A_194 : memref<100000x128xf32, #tpu.memory_space<hbm>>) dst(%arg20 : memref<64x128xf32, #tpu.memory_space<vmem>>)
    %scan3A_195 = arith.constant 0 : i32
    %scan3A_196 = arith.constant 4 : i32
    %scan3A_197 = arith.addi %scan3A_195, %scan3A_196 : i32
    %scan3A_198 = arith.constant 1 : i32
    %scan3A_199 = scf.for %scan3A_234 = %scan3A_195 to %scan3A_197 step %scan3A_198 iter_args(%scan3A_235 = %scan3A_183) -> (vector<16xf32>)  : i32 {
      %mul3A_236 = arith.constant 16 : i32
      %mul3A_237 = arith.muli %scan3A_234, %mul3A_236 : i32
      %add3A_238 = vector.broadcast %mul3A_237 : i32 to vector<16xi32>
      %add3A_239 = arith.addi %add3A_238, %iota3A : vector<16xi32>
      %broadcast_in_dim3A_240 = arith.constant 0.000000e+00 : f32
      %broadcast_in_dim3A_241 = vector.broadcast %broadcast_in_dim3A_240 : f32 to vector<16xf32>
      %scan3A_242 = arith.constant 0 : i32
      %scan3A_243 = arith.constant 16 : i32
      %scan3A_244 = arith.addi %scan3A_242, %scan3A_243 : i32
      %scan3A_245 = arith.constant 1 : i32
      %scan3A_246:2 = scf.for %scan3A_265 = %scan3A_242 to %scan3A_244 step %scan3A_245 iter_args(%scan3A_266 = %broadcast_in_dim3A_241, %scan3A_267 = %broadcast_in_dim3A_241) -> (vector<16xf32>, vector<16xf32>)  : i32 {
        %add3A_268 = vector.broadcast %scan3A_265 : i32 to vector<16xi32>
        %add3A_269 = arith.addi %iota3A, %add3A_268 : vector<16xi32>
        %and3A = arith.constant 15 : i32
        %and3A_270 = vector.broadcast %and3A : i32 to vector<16xi32>
        %and3A_271 = arith.andi %add3A_269, %and3A_270 : vector<16xi32>
        %add3A_272 = arith.constant 0 : i32
        %add3A_273 = vector.broadcast %add3A_272 : i32 to vector<16xi32>
        %add3A_274 = arith.addi %and3A_271, %add3A_273 : vector<16xi32>
        %gather3A = tpu.vector_load_idx %arg16[%add3A_239, %add3A_274] : memref<64x128xf32, #tpu.memory_space<vmem>>[vector<16xi32>, vector<16xi32>], vector<16xf32>,
        %gather3A_275 = tpu.vector_load_idx %arg20[%add3A_239, %add3A_274] : memref<64x128xf32, #tpu.memory_space<vmem>>[vector<16xi32>, vector<16xi32>], vector<16xf32>,
        %mul3A_276 = arith.mulf %gather3A, %gather3A_275 : vector<16xf32>
        %add3A_277 = arith.addf %scan3A_266, %mul3A_276 : vector<16xf32>
        %add3A_278 = arith.constant 16 : i32
        %add3A_279 = vector.broadcast %add3A_278 : i32 to vector<16xi32>
        %add3A_280 = arith.addi %and3A_271, %add3A_279 : vector<16xi32>
        %gather3A_281 = tpu.vector_load_idx %arg16[%add3A_239, %add3A_280] : memref<64x128xf32, #tpu.memory_space<vmem>>[vector<16xi32>, vector<16xi32>], vector<16xf32>,
        %gather3A_282 = tpu.vector_load_idx %arg20[%add3A_239, %add3A_280] : memref<64x128xf32, #tpu.memory_space<vmem>>[vector<16xi32>, vector<16xi32>], vector<16xf32>,
        %mul3A_283 = arith.mulf %gather3A_281, %gather3A_282 : vector<16xf32>
        %add3A_284 = arith.addf %scan3A_267, %mul3A_283 : vector<16xf32>
        %add3A_285 = arith.constant 32 : i32
        %add3A_286 = vector.broadcast %add3A_285 : i32 to vector<16xi32>
        %add3A_287 = arith.addi %and3A_271, %add3A_286 : vector<16xi32>
        %gather3A_288 = tpu.vector_load_idx %arg16[%add3A_239, %add3A_287] : memref<64x128xf32, #tpu.memory_space<vmem>>[vector<16xi32>, vector<16xi32>], vector<16xf32>,
        %gather3A_289 = tpu.vector_load_idx %arg20[%add3A_239, %add3A_287] : memref<64x128xf32, #tpu.memory_space<vmem>>[vector<16xi32>, vector<16xi32>], vector<16xf32>,
        %mul3A_290 = arith.mulf %gather3A_288, %gather3A_289 : vector<16xf32>
        %add3A_291 = arith.addf %add3A_277, %mul3A_290 : vector<16xf32>
        %add3A_292 = arith.constant 48 : i32
        %add3A_293 = vector.broadcast %add3A_292 : i32 to vector<16xi32>
        %add3A_294 = arith.addi %and3A_271, %add3A_293 : vector<16xi32>
        %gather3A_295 = tpu.vector_load_idx %arg16[%add3A_239, %add3A_294] : memref<64x128xf32, #tpu.memory_space<vmem>>[vector<16xi32>, vector<16xi32>], vector<16xf32>,
        %gather3A_296 = tpu.vector_load_idx %arg20[%add3A_239, %add3A_294] : memref<64x128xf32, #tpu.memory_space<vmem>>[vector<16xi32>, vector<16xi32>], vector<16xf32>,
        %mul3A_297 = arith.mulf %gather3A_295, %gather3A_296 : vector<16xf32>
        %add3A_298 = arith.addf %add3A_284, %mul3A_297 : vector<16xf32>
        %add3A_299 = arith.constant 64 : i32
        %add3A_300 = vector.broadcast %add3A_299 : i32 to vector<16xi32>
        %add3A_301 = arith.addi %and3A_271, %add3A_300 : vector<16xi32>
        %gather3A_302 = tpu.vector_load_idx %arg16[%add3A_239, %add3A_301] : memref<64x128xf32, #tpu.memory_space<vmem>>[vector<16xi32>, vector<16xi32>], vector<16xf32>,
        %gather3A_303 = tpu.vector_load_idx %arg20[%add3A_239, %add3A_301] : memref<64x128xf32, #tpu.memory_space<vmem>>[vector<16xi32>, vector<16xi32>], vector<16xf32>,
        %mul3A_304 = arith.mulf %gather3A_302, %gather3A_303 : vector<16xf32>
        %add3A_305 = arith.addf %add3A_291, %mul3A_304 : vector<16xf32>
        %add3A_306 = arith.constant 80 : i32
        %add3A_307 = vector.broadcast %add3A_306 : i32 to vector<16xi32>
        %add3A_308 = arith.addi %and3A_271, %add3A_307 : vector<16xi32>
        %gather3A_309 = tpu.vector_load_idx %arg16[%add3A_239, %add3A_308] : memref<64x128xf32, #tpu.memory_space<vmem>>[vector<16xi32>, vector<16xi32>], vector<16xf32>,
        %gather3A_310 = tpu.vector_load_idx %arg20[%add3A_239, %add3A_308] : memref<64x128xf32, #tpu.memory_space<vmem>>[vector<16xi32>, vector<16xi32>], vector<16xf32>,
        %mul3A_311 = arith.mulf %gather3A_309, %gather3A_310 : vector<16xf32>
        %add3A_312 = arith.addf %add3A_298, %mul3A_311 : vector<16xf32>
        %add3A_313 = arith.constant 96 : i32
        %add3A_314 = vector.broadcast %add3A_313 : i32 to vector<16xi32>
        %add3A_315 = arith.addi %and3A_271, %add3A_314 : vector<16xi32>
        %gather3A_316 = tpu.vector_load_idx %arg16[%add3A_239, %add3A_315] : memref<64x128xf32, #tpu.memory_space<vmem>>[vector<16xi32>, vector<16xi32>], vector<16xf32>,
        %gather3A_317 = tpu.vector_load_idx %arg20[%add3A_239, %add3A_315] : memref<64x128xf32, #tpu.memory_space<vmem>>[vector<16xi32>, vector<16xi32>], vector<16xf32>,
        %mul3A_318 = arith.mulf %gather3A_316, %gather3A_317 : vector<16xf32>
        %add3A_319 = arith.addf %add3A_305, %mul3A_318 : vector<16xf32>
        %add3A_320 = arith.constant 112 : i32
        %add3A_321 = vector.broadcast %add3A_320 : i32 to vector<16xi32>
        %add3A_322 = arith.addi %and3A_271, %add3A_321 : vector<16xi32>
        %gather3A_323 = tpu.vector_load_idx %arg16[%add3A_239, %add3A_322] : memref<64x128xf32, #tpu.memory_space<vmem>>[vector<16xi32>, vector<16xi32>], vector<16xf32>,
        %gather3A_324 = tpu.vector_load_idx %arg20[%add3A_239, %add3A_322] : memref<64x128xf32, #tpu.memory_space<vmem>>[vector<16xi32>, vector<16xi32>], vector<16xf32>,
        %mul3A_325 = arith.mulf %gather3A_323, %gather3A_324 : vector<16xf32>
        %add3A_326 = arith.addf %add3A_312, %mul3A_325 : vector<16xf32>
        scf.yield %add3A_319, %add3A_326 : vector<16xf32>, vector<16xf32>
      }
      %scan3A_247 = arith.constant 16 : i32
      %add3A_248 = arith.addf %scan3A_246#0, %scan3A_246#1 : vector<16xf32>
      %mul3A_249 = arith.constant 16 : i32
      %mul3A_250 = arith.muli %scan3A_234, %mul3A_249 : i32
      %add3A_251 = arith.constant 320 : i32
      %add3A_252 = arith.addi %add3A_251, %mul3A_250 : i32
      %get3A = arith.index_cast %add3A_252 : i32 to index
      %get3A_253 = tpu.vector_load %arg23[%get3A] {strides = array<i32>} : memref<512xf32, #tpu.memory_space<vmem>>, vector<16xf32>,
      %get3A_254 = arith.index_cast %add3A_252 : i32 to index
      %get3A_255 = tpu.vector_load %arg24[%get3A_254] {strides = array<i32>} : memref<512xf32, #tpu.memory_space<vmem>>, vector<16xf32>,
      %get3A_256 = arith.index_cast %add3A_252 : i32 to index
      %get3A_257 = tpu.vector_load %arg13[%get3A_256] {strides = array<i32>} : memref<512xf32, #tpu.memory_space<vmem>>, vector<16xf32>,
      %get3A_258 = arith.index_cast %add3A_252 : i32 to index
      %get3A_259 = tpu.vector_load %arg14[%get3A_258] {strides = array<i32>} : memref<512xf32, #tpu.memory_space<vmem>>, vector<16xf32>,
      %add3A_260 = arith.addf %add3A_248, %get3A_253 : vector<16xf32>
      %add3A_261 = arith.addf %add3A_260, %get3A_255 : vector<16xf32>
      %sub3A = arith.subf %add3A_261, %get3A_257 : vector<16xf32>
      %mul3A_262 = arith.mulf %get3A_259, %sub3A : vector<16xf32>
      %mul3A_263 = arith.mulf %mul3A_262, %sub3A : vector<16xf32>
      %add3A_264 = arith.addf %scan3A_235, %mul3A_263 : vector<16xf32>
      scf.yield %add3A_264 : vector<16xf32>
    }
    %scan3A_200 = arith.constant 4 : i32
    %dma_wait3A_201 = arith.constant 384 : i32
    %dma_wait3A_202 = tpu.memref_slice %arg11[%dma_wait3A_201] : memref<512xi32, #tpu.memory_space<vmem>> -> memref<64xi32, #tpu.memory_space<vmem>>
    %dma_wait3A_203 = arith.constant 0 : i32
    %dma_wait3A_204 = arith.constant 0 : i32
    %dma_wait3A_205 = tpu.memref_slice %arg6[%dma_wait3A_203, %dma_wait3A_204] : memref<100000x128xf32, #tpu.memory_space<hbm>> -> memref<100000x128xf32, #tpu.memory_space<hbm>>
    tpu.wait_indirect_dma semaphore(%arg28 : memref<!tpu.dma_semaphore, #tpu.memory_space<semaphore_mem>>) src(%dma_wait3A_205 : memref<100000x128xf32, #tpu.memory_space<hbm>>) dst(%arg17 : memref<64x128xf32, #tpu.memory_space<vmem>>)
    %dma_wait3A_206 = arith.constant 384 : i32
    %dma_wait3A_207 = tpu.memref_slice %arg12[%dma_wait3A_206] : memref<512xi32, #tpu.memory_space<vmem>> -> memref<64xi32, #tpu.memory_space<vmem>>
    %dma_wait3A_208 = arith.constant 0 : i32
    %dma_wait3A_209 = arith.constant 0 : i32
    %dma_wait3A_210 = tpu.memref_slice %arg7[%dma_wait3A_208, %dma_wait3A_209] : memref<100000x128xf32, #tpu.memory_space<hbm>> -> memref<100000x128xf32, #tpu.memory_space<hbm>>
    tpu.wait_indirect_dma semaphore(%arg28 : memref<!tpu.dma_semaphore, #tpu.memory_space<semaphore_mem>>) src(%dma_wait3A_210 : memref<100000x128xf32, #tpu.memory_space<hbm>>) dst(%arg21 : memref<64x128xf32, #tpu.memory_space<vmem>>)
    %scan3A_211 = arith.constant 0 : i32
    %scan3A_212 = arith.constant 4 : i32
    %scan3A_213 = arith.addi %scan3A_211, %scan3A_212 : i32
    %scan3A_214 = arith.constant 1 : i32
    %scan3A_215 = scf.for %scan3A_234 = %scan3A_211 to %scan3A_213 step %scan3A_214 iter_args(%scan3A_235 = %scan3A_199) -> (vector<16xf32>)  : i32 {
      %mul3A_236 = arith.constant 16 : i32
      %mul3A_237 = arith.muli %scan3A_234, %mul3A_236 : i32
      %add3A_238 = vector.broadcast %mul3A_237 : i32 to vector<16xi32>
      %add3A_239 = arith.addi %add3A_238, %iota3A : vector<16xi32>
      %broadcast_in_dim3A_240 = arith.constant 0.000000e+00 : f32
      %broadcast_in_dim3A_241 = vector.broadcast %broadcast_in_dim3A_240 : f32 to vector<16xf32>
      %scan3A_242 = arith.constant 0 : i32
      %scan3A_243 = arith.constant 16 : i32
      %scan3A_244 = arith.addi %scan3A_242, %scan3A_243 : i32
      %scan3A_245 = arith.constant 1 : i32
      %scan3A_246:2 = scf.for %scan3A_265 = %scan3A_242 to %scan3A_244 step %scan3A_245 iter_args(%scan3A_266 = %broadcast_in_dim3A_241, %scan3A_267 = %broadcast_in_dim3A_241) -> (vector<16xf32>, vector<16xf32>)  : i32 {
        %add3A_268 = vector.broadcast %scan3A_265 : i32 to vector<16xi32>
        %add3A_269 = arith.addi %iota3A, %add3A_268 : vector<16xi32>
        %and3A = arith.constant 15 : i32
        %and3A_270 = vector.broadcast %and3A : i32 to vector<16xi32>
        %and3A_271 = arith.andi %add3A_269, %and3A_270 : vector<16xi32>
        %add3A_272 = arith.constant 0 : i32
        %add3A_273 = vector.broadcast %add3A_272 : i32 to vector<16xi32>
        %add3A_274 = arith.addi %and3A_271, %add3A_273 : vector<16xi32>
        %gather3A = tpu.vector_load_idx %arg17[%add3A_239, %add3A_274] : memref<64x128xf32, #tpu.memory_space<vmem>>[vector<16xi32>, vector<16xi32>], vector<16xf32>,
        %gather3A_275 = tpu.vector_load_idx %arg21[%add3A_239, %add3A_274] : memref<64x128xf32, #tpu.memory_space<vmem>>[vector<16xi32>, vector<16xi32>], vector<16xf32>,
        %mul3A_276 = arith.mulf %gather3A, %gather3A_275 : vector<16xf32>
        %add3A_277 = arith.addf %scan3A_266, %mul3A_276 : vector<16xf32>
        %add3A_278 = arith.constant 16 : i32
        %add3A_279 = vector.broadcast %add3A_278 : i32 to vector<16xi32>
        %add3A_280 = arith.addi %and3A_271, %add3A_279 : vector<16xi32>
        %gather3A_281 = tpu.vector_load_idx %arg17[%add3A_239, %add3A_280] : memref<64x128xf32, #tpu.memory_space<vmem>>[vector<16xi32>, vector<16xi32>], vector<16xf32>,
        %gather3A_282 = tpu.vector_load_idx %arg21[%add3A_239, %add3A_280] : memref<64x128xf32, #tpu.memory_space<vmem>>[vector<16xi32>, vector<16xi32>], vector<16xf32>,
        %mul3A_283 = arith.mulf %gather3A_281, %gather3A_282 : vector<16xf32>
        %add3A_284 = arith.addf %scan3A_267, %mul3A_283 : vector<16xf32>
        %add3A_285 = arith.constant 32 : i32
        %add3A_286 = vector.broadcast %add3A_285 : i32 to vector<16xi32>
        %add3A_287 = arith.addi %and3A_271, %add3A_286 : vector<16xi32>
        %gather3A_288 = tpu.vector_load_idx %arg17[%add3A_239, %add3A_287] : memref<64x128xf32, #tpu.memory_space<vmem>>[vector<16xi32>, vector<16xi32>], vector<16xf32>,
        %gather3A_289 = tpu.vector_load_idx %arg21[%add3A_239, %add3A_287] : memref<64x128xf32, #tpu.memory_space<vmem>>[vector<16xi32>, vector<16xi32>], vector<16xf32>,
        %mul3A_290 = arith.mulf %gather3A_288, %gather3A_289 : vector<16xf32>
        %add3A_291 = arith.addf %add3A_277, %mul3A_290 : vector<16xf32>
        %add3A_292 = arith.constant 48 : i32
        %add3A_293 = vector.broadcast %add3A_292 : i32 to vector<16xi32>
        %add3A_294 = arith.addi %and3A_271, %add3A_293 : vector<16xi32>
        %gather3A_295 = tpu.vector_load_idx %arg17[%add3A_239, %add3A_294] : memref<64x128xf32, #tpu.memory_space<vmem>>[vector<16xi32>, vector<16xi32>], vector<16xf32>,
        %gather3A_296 = tpu.vector_load_idx %arg21[%add3A_239, %add3A_294] : memref<64x128xf32, #tpu.memory_space<vmem>>[vector<16xi32>, vector<16xi32>], vector<16xf32>,
        %mul3A_297 = arith.mulf %gather3A_295, %gather3A_296 : vector<16xf32>
        %add3A_298 = arith.addf %add3A_284, %mul3A_297 : vector<16xf32>
        %add3A_299 = arith.constant 64 : i32
        %add3A_300 = vector.broadcast %add3A_299 : i32 to vector<16xi32>
        %add3A_301 = arith.addi %and3A_271, %add3A_300 : vector<16xi32>
        %gather3A_302 = tpu.vector_load_idx %arg17[%add3A_239, %add3A_301] : memref<64x128xf32, #tpu.memory_space<vmem>>[vector<16xi32>, vector<16xi32>], vector<16xf32>,
        %gather3A_303 = tpu.vector_load_idx %arg21[%add3A_239, %add3A_301] : memref<64x128xf32, #tpu.memory_space<vmem>>[vector<16xi32>, vector<16xi32>], vector<16xf32>,
        %mul3A_304 = arith.mulf %gather3A_302, %gather3A_303 : vector<16xf32>
        %add3A_305 = arith.addf %add3A_291, %mul3A_304 : vector<16xf32>
        %add3A_306 = arith.constant 80 : i32
        %add3A_307 = vector.broadcast %add3A_306 : i32 to vector<16xi32>
        %add3A_308 = arith.addi %and3A_271, %add3A_307 : vector<16xi32>
        %gather3A_309 = tpu.vector_load_idx %arg17[%add3A_239, %add3A_308] : memref<64x128xf32, #tpu.memory_space<vmem>>[vector<16xi32>, vector<16xi32>], vector<16xf32>,
        %gather3A_310 = tpu.vector_load_idx %arg21[%add3A_239, %add3A_308] : memref<64x128xf32, #tpu.memory_space<vmem>>[vector<16xi32>, vector<16xi32>], vector<16xf32>,
        %mul3A_311 = arith.mulf %gather3A_309, %gather3A_310 : vector<16xf32>
        %add3A_312 = arith.addf %add3A_298, %mul3A_311 : vector<16xf32>
        %add3A_313 = arith.constant 96 : i32
        %add3A_314 = vector.broadcast %add3A_313 : i32 to vector<16xi32>
        %add3A_315 = arith.addi %and3A_271, %add3A_314 : vector<16xi32>
        %gather3A_316 = tpu.vector_load_idx %arg17[%add3A_239, %add3A_315] : memref<64x128xf32, #tpu.memory_space<vmem>>[vector<16xi32>, vector<16xi32>], vector<16xf32>,
        %gather3A_317 = tpu.vector_load_idx %arg21[%add3A_239, %add3A_315] : memref<64x128xf32, #tpu.memory_space<vmem>>[vector<16xi32>, vector<16xi32>], vector<16xf32>,
        %mul3A_318 = arith.mulf %gather3A_316, %gather3A_317 : vector<16xf32>
        %add3A_319 = arith.addf %add3A_305, %mul3A_318 : vector<16xf32>
        %add3A_320 = arith.constant 112 : i32
        %add3A_321 = vector.broadcast %add3A_320 : i32 to vector<16xi32>
        %add3A_322 = arith.addi %and3A_271, %add3A_321 : vector<16xi32>
        %gather3A_323 = tpu.vector_load_idx %arg17[%add3A_239, %add3A_322] : memref<64x128xf32, #tpu.memory_space<vmem>>[vector<16xi32>, vector<16xi32>], vector<16xf32>,
        %gather3A_324 = tpu.vector_load_idx %arg21[%add3A_239, %add3A_322] : memref<64x128xf32, #tpu.memory_space<vmem>>[vector<16xi32>, vector<16xi32>], vector<16xf32>,
        %mul3A_325 = arith.mulf %gather3A_323, %gather3A_324 : vector<16xf32>
        %add3A_326 = arith.addf %add3A_312, %mul3A_325 : vector<16xf32>
        scf.yield %add3A_319, %add3A_326 : vector<16xf32>, vector<16xf32>
      }
      %scan3A_247 = arith.constant 16 : i32
      %add3A_248 = arith.addf %scan3A_246#0, %scan3A_246#1 : vector<16xf32>
      %mul3A_249 = arith.constant 16 : i32
      %mul3A_250 = arith.muli %scan3A_234, %mul3A_249 : i32
      %add3A_251 = arith.constant 384 : i32
      %add3A_252 = arith.addi %add3A_251, %mul3A_250 : i32
      %get3A = arith.index_cast %add3A_252 : i32 to index
      %get3A_253 = tpu.vector_load %arg23[%get3A] {strides = array<i32>} : memref<512xf32, #tpu.memory_space<vmem>>, vector<16xf32>,
      %get3A_254 = arith.index_cast %add3A_252 : i32 to index
      %get3A_255 = tpu.vector_load %arg24[%get3A_254] {strides = array<i32>} : memref<512xf32, #tpu.memory_space<vmem>>, vector<16xf32>,
      %get3A_256 = arith.index_cast %add3A_252 : i32 to index
      %get3A_257 = tpu.vector_load %arg13[%get3A_256] {strides = array<i32>} : memref<512xf32, #tpu.memory_space<vmem>>, vector<16xf32>,
      %get3A_258 = arith.index_cast %add3A_252 : i32 to index
      %get3A_259 = tpu.vector_load %arg14[%get3A_258] {strides = array<i32>} : memref<512xf32, #tpu.memory_space<vmem>>, vector<16xf32>,
      %add3A_260 = arith.addf %add3A_248, %get3A_253 : vector<16xf32>
      %add3A_261 = arith.addf %add3A_260, %get3A_255 : vector<16xf32>
      %sub3A = arith.subf %add3A_261, %get3A_257 : vector<16xf32>
      %mul3A_262 = arith.mulf %get3A_259, %sub3A : vector<16xf32>
      %mul3A_263 = arith.mulf %mul3A_262, %sub3A : vector<16xf32>
      %add3A_264 = arith.addf %scan3A_235, %mul3A_263 : vector<16xf32>
      scf.yield %add3A_264 : vector<16xf32>
    }
    %scan3A_216 = arith.constant 4 : i32
    %dma_wait3A_217 = arith.constant 448 : i32
    %dma_wait3A_218 = tpu.memref_slice %arg11[%dma_wait3A_217] : memref<512xi32, #tpu.memory_space<vmem>> -> memref<64xi32, #tpu.memory_space<vmem>>
    %dma_wait3A_219 = arith.constant 0 : i32
    %dma_wait3A_220 = arith.constant 0 : i32
    %dma_wait3A_221 = tpu.memref_slice %arg6[%dma_wait3A_219, %dma_wait3A_220] : memref<100000x128xf32, #tpu.memory_space<hbm>> -> memref<100000x128xf32, #tpu.memory_space<hbm>>
    tpu.wait_indirect_dma semaphore(%arg29 : memref<!tpu.dma_semaphore, #tpu.memory_space<semaphore_mem>>) src(%dma_wait3A_221 : memref<100000x128xf32, #tpu.memory_space<hbm>>) dst(%arg18 : memref<64x128xf32, #tpu.memory_space<vmem>>)
    %dma_wait3A_222 = arith.constant 448 : i32
    %dma_wait3A_223 = tpu.memref_slice %arg12[%dma_wait3A_222] : memref<512xi32, #tpu.memory_space<vmem>> -> memref<64xi32, #tpu.memory_space<vmem>>
    %dma_wait3A_224 = arith.constant 0 : i32
    %dma_wait3A_225 = arith.constant 0 : i32
    %dma_wait3A_226 = tpu.memref_slice %arg7[%dma_wait3A_224, %dma_wait3A_225] : memref<100000x128xf32, #tpu.memory_space<hbm>> -> memref<100000x128xf32, #tpu.memory_space<hbm>>
    tpu.wait_indirect_dma semaphore(%arg29 : memref<!tpu.dma_semaphore, #tpu.memory_space<semaphore_mem>>) src(%dma_wait3A_226 : memref<100000x128xf32, #tpu.memory_space<hbm>>) dst(%arg22 : memref<64x128xf32, #tpu.memory_space<vmem>>)
    %scan3A_227 = arith.constant 0 : i32
    %scan3A_228 = arith.constant 4 : i32
    %scan3A_229 = arith.addi %scan3A_227, %scan3A_228 : i32
    %scan3A_230 = arith.constant 1 : i32
    %scan3A_231 = scf.for %scan3A_234 = %scan3A_227 to %scan3A_229 step %scan3A_230 iter_args(%scan3A_235 = %scan3A_215) -> (vector<16xf32>)  : i32 {
      %mul3A_236 = arith.constant 16 : i32
      %mul3A_237 = arith.muli %scan3A_234, %mul3A_236 : i32
      %add3A_238 = vector.broadcast %mul3A_237 : i32 to vector<16xi32>
      %add3A_239 = arith.addi %add3A_238, %iota3A : vector<16xi32>
      %broadcast_in_dim3A_240 = arith.constant 0.000000e+00 : f32
      %broadcast_in_dim3A_241 = vector.broadcast %broadcast_in_dim3A_240 : f32 to vector<16xf32>
      %scan3A_242 = arith.constant 0 : i32
      %scan3A_243 = arith.constant 16 : i32
      %scan3A_244 = arith.addi %scan3A_242, %scan3A_243 : i32
      %scan3A_245 = arith.constant 1 : i32
      %scan3A_246:2 = scf.for %scan3A_265 = %scan3A_242 to %scan3A_244 step %scan3A_245 iter_args(%scan3A_266 = %broadcast_in_dim3A_241, %scan3A_267 = %broadcast_in_dim3A_241) -> (vector<16xf32>, vector<16xf32>)  : i32 {
        %add3A_268 = vector.broadcast %scan3A_265 : i32 to vector<16xi32>
        %add3A_269 = arith.addi %iota3A, %add3A_268 : vector<16xi32>
        %and3A = arith.constant 15 : i32
        %and3A_270 = vector.broadcast %and3A : i32 to vector<16xi32>
        %and3A_271 = arith.andi %add3A_269, %and3A_270 : vector<16xi32>
        %add3A_272 = arith.constant 0 : i32
        %add3A_273 = vector.broadcast %add3A_272 : i32 to vector<16xi32>
        %add3A_274 = arith.addi %and3A_271, %add3A_273 : vector<16xi32>
        %gather3A = tpu.vector_load_idx %arg18[%add3A_239, %add3A_274] : memref<64x128xf32, #tpu.memory_space<vmem>>[vector<16xi32>, vector<16xi32>], vector<16xf32>,
        %gather3A_275 = tpu.vector_load_idx %arg22[%add3A_239, %add3A_274] : memref<64x128xf32, #tpu.memory_space<vmem>>[vector<16xi32>, vector<16xi32>], vector<16xf32>,
        %mul3A_276 = arith.mulf %gather3A, %gather3A_275 : vector<16xf32>
        %add3A_277 = arith.addf %scan3A_266, %mul3A_276 : vector<16xf32>
        %add3A_278 = arith.constant 16 : i32
        %add3A_279 = vector.broadcast %add3A_278 : i32 to vector<16xi32>
        %add3A_280 = arith.addi %and3A_271, %add3A_279 : vector<16xi32>
        %gather3A_281 = tpu.vector_load_idx %arg18[%add3A_239, %add3A_280] : memref<64x128xf32, #tpu.memory_space<vmem>>[vector<16xi32>, vector<16xi32>], vector<16xf32>,
        %gather3A_282 = tpu.vector_load_idx %arg22[%add3A_239, %add3A_280] : memref<64x128xf32, #tpu.memory_space<vmem>>[vector<16xi32>, vector<16xi32>], vector<16xf32>,
        %mul3A_283 = arith.mulf %gather3A_281, %gather3A_282 : vector<16xf32>
        %add3A_284 = arith.addf %scan3A_267, %mul3A_283 : vector<16xf32>
        %add3A_285 = arith.constant 32 : i32
        %add3A_286 = vector.broadcast %add3A_285 : i32 to vector<16xi32>
        %add3A_287 = arith.addi %and3A_271, %add3A_286 : vector<16xi32>
        %gather3A_288 = tpu.vector_load_idx %arg18[%add3A_239, %add3A_287] : memref<64x128xf32, #tpu.memory_space<vmem>>[vector<16xi32>, vector<16xi32>], vector<16xf32>,
        %gather3A_289 = tpu.vector_load_idx %arg22[%add3A_239, %add3A_287] : memref<64x128xf32, #tpu.memory_space<vmem>>[vector<16xi32>, vector<16xi32>], vector<16xf32>,
        %mul3A_290 = arith.mulf %gather3A_288, %gather3A_289 : vector<16xf32>
        %add3A_291 = arith.addf %add3A_277, %mul3A_290 : vector<16xf32>
        %add3A_292 = arith.constant 48 : i32
        %add3A_293 = vector.broadcast %add3A_292 : i32 to vector<16xi32>
        %add3A_294 = arith.addi %and3A_271, %add3A_293 : vector<16xi32>
        %gather3A_295 = tpu.vector_load_idx %arg18[%add3A_239, %add3A_294] : memref<64x128xf32, #tpu.memory_space<vmem>>[vector<16xi32>, vector<16xi32>], vector<16xf32>,
        %gather3A_296 = tpu.vector_load_idx %arg22[%add3A_239, %add3A_294] : memref<64x128xf32, #tpu.memory_space<vmem>>[vector<16xi32>, vector<16xi32>], vector<16xf32>,
        %mul3A_297 = arith.mulf %gather3A_295, %gather3A_296 : vector<16xf32>
        %add3A_298 = arith.addf %add3A_284, %mul3A_297 : vector<16xf32>
        %add3A_299 = arith.constant 64 : i32
        %add3A_300 = vector.broadcast %add3A_299 : i32 to vector<16xi32>
        %add3A_301 = arith.addi %and3A_271, %add3A_300 : vector<16xi32>
        %gather3A_302 = tpu.vector_load_idx %arg18[%add3A_239, %add3A_301] : memref<64x128xf32, #tpu.memory_space<vmem>>[vector<16xi32>, vector<16xi32>], vector<16xf32>,
        %gather3A_303 = tpu.vector_load_idx %arg22[%add3A_239, %add3A_301] : memref<64x128xf32, #tpu.memory_space<vmem>>[vector<16xi32>, vector<16xi32>], vector<16xf32>,
        %mul3A_304 = arith.mulf %gather3A_302, %gather3A_303 : vector<16xf32>
        %add3A_305 = arith.addf %add3A_291, %mul3A_304 : vector<16xf32>
        %add3A_306 = arith.constant 80 : i32
        %add3A_307 = vector.broadcast %add3A_306 : i32 to vector<16xi32>
        %add3A_308 = arith.addi %and3A_271, %add3A_307 : vector<16xi32>
        %gather3A_309 = tpu.vector_load_idx %arg18[%add3A_239, %add3A_308] : memref<64x128xf32, #tpu.memory_space<vmem>>[vector<16xi32>, vector<16xi32>], vector<16xf32>,
        %gather3A_310 = tpu.vector_load_idx %arg22[%add3A_239, %add3A_308] : memref<64x128xf32, #tpu.memory_space<vmem>>[vector<16xi32>, vector<16xi32>], vector<16xf32>,
        %mul3A_311 = arith.mulf %gather3A_309, %gather3A_310 : vector<16xf32>
        %add3A_312 = arith.addf %add3A_298, %mul3A_311 : vector<16xf32>
        %add3A_313 = arith.constant 96 : i32
        %add3A_314 = vector.broadcast %add3A_313 : i32 to vector<16xi32>
        %add3A_315 = arith.addi %and3A_271, %add3A_314 : vector<16xi32>
        %gather3A_316 = tpu.vector_load_idx %arg18[%add3A_239, %add3A_315] : memref<64x128xf32, #tpu.memory_space<vmem>>[vector<16xi32>, vector<16xi32>], vector<16xf32>,
        %gather3A_317 = tpu.vector_load_idx %arg22[%add3A_239, %add3A_315] : memref<64x128xf32, #tpu.memory_space<vmem>>[vector<16xi32>, vector<16xi32>], vector<16xf32>,
        %mul3A_318 = arith.mulf %gather3A_316, %gather3A_317 : vector<16xf32>
        %add3A_319 = arith.addf %add3A_305, %mul3A_318 : vector<16xf32>
        %add3A_320 = arith.constant 112 : i32
        %add3A_321 = vector.broadcast %add3A_320 : i32 to vector<16xi32>
        %add3A_322 = arith.addi %and3A_271, %add3A_321 : vector<16xi32>
        %gather3A_323 = tpu.vector_load_idx %arg18[%add3A_239, %add3A_322] : memref<64x128xf32, #tpu.memory_space<vmem>>[vector<16xi32>, vector<16xi32>], vector<16xf32>,
        %gather3A_324 = tpu.vector_load_idx %arg22[%add3A_239, %add3A_322] : memref<64x128xf32, #tpu.memory_space<vmem>>[vector<16xi32>, vector<16xi32>], vector<16xf32>,
        %mul3A_325 = arith.mulf %gather3A_323, %gather3A_324 : vector<16xf32>
        %add3A_326 = arith.addf %add3A_312, %mul3A_325 : vector<16xf32>
        scf.yield %add3A_319, %add3A_326 : vector<16xf32>, vector<16xf32>
      }
      %scan3A_247 = arith.constant 16 : i32
      %add3A_248 = arith.addf %scan3A_246#0, %scan3A_246#1 : vector<16xf32>
      %mul3A_249 = arith.constant 16 : i32
      %mul3A_250 = arith.muli %scan3A_234, %mul3A_249 : i32
      %add3A_251 = arith.constant 448 : i32
      %add3A_252 = arith.addi %add3A_251, %mul3A_250 : i32
      %get3A = arith.index_cast %add3A_252 : i32 to index
      %get3A_253 = tpu.vector_load %arg23[%get3A] {strides = array<i32>} : memref<512xf32, #tpu.memory_space<vmem>>, vector<16xf32>,
      %get3A_254 = arith.index_cast %add3A_252 : i32 to index
      %get3A_255 = tpu.vector_load %arg24[%get3A_254] {strides = array<i32>} : memref<512xf32, #tpu.memory_space<vmem>>, vector<16xf32>,
      %get3A_256 = arith.index_cast %add3A_252 : i32 to index
      %get3A_257 = tpu.vector_load %arg13[%get3A_256] {strides = array<i32>} : memref<512xf32, #tpu.memory_space<vmem>>, vector<16xf32>,
      %get3A_258 = arith.index_cast %add3A_252 : i32 to index
      %get3A_259 = tpu.vector_load %arg14[%get3A_258] {strides = array<i32>} : memref<512xf32, #tpu.memory_space<vmem>>, vector<16xf32>,
      %add3A_260 = arith.addf %add3A_248, %get3A_253 : vector<16xf32>
      %add3A_261 = arith.addf %add3A_260, %get3A_255 : vector<16xf32>
      %sub3A = arith.subf %add3A_261, %get3A_257 : vector<16xf32>
      %mul3A_262 = arith.mulf %get3A_259, %sub3A : vector<16xf32>
      %mul3A_263 = arith.mulf %mul3A_262, %sub3A : vector<16xf32>
      %add3A_264 = arith.addf %scan3A_235, %mul3A_263 : vector<16xf32>
      scf.yield %add3A_264 : vector<16xf32>
    }
    %scan3A_232 = arith.constant 4 : i32
    %swap3A = arith.constant 0 : index
    %swap3A_233 = tpu.vector_load %arg25[%swap3A] {strides = array<i32>} : memref<16xf32, #tpu.memory_space<vmem>>, vector<16xf32>,
    tpu.vector_store %arg25[%swap3A], %scan3A_231 {strides = array<i32>} : memref<16xf32, #tpu.memory_space<vmem>>, vector<16xf32>,
    "tpu.region"() ({
      %run_scoped3A = tpu.sem_alloc : memref<!tpu.dma_semaphore, #tpu.memory_space<semaphore_mem>>
      %dma_start3A_234 = arith.constant 0 : i32
      %dma_start3A_235 = tpu.memref_slice %arg10[%add3A, %dma_start3A_234] : memref<32x16xf32, #tpu.memory_space<hbm>> -> memref<1x16xf32, #tpu.memory_space<hbm>>
      %dma_start3A_236 = tpu.memref_squeeze %dma_start3A_235 : memref<1x16xf32, #tpu.memory_space<hbm>> -> memref<16xf32, #tpu.memory_space<hbm>>
      %dma_start3A_237 = arith.constant 0 : i32
      %dma_start3A_238 = tpu.memref_slice %arg10[%add3A, %dma_start3A_237] : memref<32x16xf32, #tpu.memory_space<hbm>> -> memref<1x16xf32, #tpu.memory_space<hbm>>
      %dma_start3A_239 = tpu.memref_squeeze %dma_start3A_238 : memref<1x16xf32, #tpu.memory_space<hbm>> -> memref<16xf32, #tpu.memory_space<hbm>>
      tpu.enqueue_dma source(%arg25 : memref<16xf32, #tpu.memory_space<vmem>>) target(%dma_start3A_239 : memref<16xf32, #tpu.memory_space<hbm>>) target_semaphore(%run_scoped3A : memref<!tpu.dma_semaphore, #tpu.memory_space<semaphore_mem>>)
      %dma_wait3A_240 = arith.constant 0 : i32
      %dma_wait3A_241 = tpu.memref_slice %arg10[%add3A, %dma_wait3A_240] : memref<32x16xf32, #tpu.memory_space<hbm>> -> memref<1x16xf32, #tpu.memory_space<hbm>>
      %dma_wait3A_242 = tpu.memref_squeeze %dma_wait3A_241 : memref<1x16xf32, #tpu.memory_space<hbm>> -> memref<16xf32, #tpu.memory_space<hbm>>
      %dma_wait3A_243 = arith.constant 0 : i32
      %dma_wait3A_244 = tpu.memref_slice %arg10[%add3A, %dma_wait3A_243] : memref<32x16xf32, #tpu.memory_space<hbm>> -> memref<1x16xf32, #tpu.memory_space<hbm>>
      %dma_wait3A_245 = tpu.memref_squeeze %dma_wait3A_244 : memref<1x16xf32, #tpu.memory_space<hbm>> -> memref<16xf32, #tpu.memory_space<hbm>>
      tpu.wait_dma2 semaphore(%run_scoped3A : memref<!tpu.dma_semaphore, #tpu.memory_space<semaphore_mem>>) src(%arg25 : memref<16xf32, #tpu.memory_space<vmem>>) dst(%dma_wait3A_245 : memref<16xf32, #tpu.memory_space<hbm>>)
      tpu.yield
    }) : () -> ()
    return
  }
}

module attributes {stable_mosaic.version = 14 : i64} {
  func.func @_reduce_body(%arg0: memref<32x16xf32, #tpu.memory_space<vmem>>, %arg1: memref<1x1xf32, #tpu.memory_space<vmem>>) attributes {dimension_semantics = [], scalar_prefetch = 0 : i64, scratch_operands = 0 : i64, tpu.core_type = #tpu.core_type<tc>} {
    %get3A = arith.constant 0 : index
    %get3A_0 = arith.constant 0 : index
    %get3A_1 = vector.load %arg0[%get3A, %get3A_0] : memref<32x16xf32, #tpu.memory_space<vmem>>, vector<32x16xf32>
    %reduce_sum3A = vector.shape_cast %get3A_1 : vector<32x16xf32> to vector<1x32x16xf32>
    %reduce_sum3A_2 = arith.constant dense<0.000000e+00> : vector<1xf32>
    %reduce_sum3A_3 = vector.multi_reduction <add>, %reduce_sum3A, %reduce_sum3A_2 [1, 2] : vector<1x32x16xf32> to vector<1xf32>
    %reduce_sum3A_4 = vector.shape_cast %reduce_sum3A_3 : vector<1xf32> to vector<1x1x1xf32>
    %reduce_sum3A_5 = vector.extract %reduce_sum3A_4[0, 0, 0] : f32 from vector<1x1x1xf32>
    %broadcast_in_dim3A = vector.broadcast %reduce_sum3A_5 : f32 to vector<1x1xf32>
    %mul3A = arith.constant 6.10351563E-5 : f32
    %mul3A_6 = vector.broadcast %mul3A : f32 to vector<1x1xf32>
    %mul3A_7 = arith.mulf %broadcast_in_dim3A, %mul3A_6 : vector<1x1xf32>
    %swap3A = arith.constant 0 : index
    %swap3A_8 = arith.constant 0 : index
    %swap3A_9 = vector.load %arg1[%swap3A, %swap3A_8] : memref<1x1xf32, #tpu.memory_space<vmem>>, vector<1x1xf32>
    tpu.vector_store %arg1[%swap3A, %swap3A_8], %mul3A_7 {strides = array<i32>} : memref<1x1xf32, #tpu.memory_space<vmem>>, vector<1x1xf32>,
    return
  }
}

</mosaic_0001>

<sc_bundles>
// kernel: kernel.4.cloned.1.call-start
scs
__scs_entry_jumppad:
0x0: {  	(pc) =	sbr.rel $0x88, $3  }
0x1: {  	(tag) =	ssettag $0x0;
	lr =	simm.s32 $0x1  }
0x2: {  	[smem:$0x3F99] =	sst lr;
	_ =	strace $0xD0000000  }
0x3: {  	_ = 	snop  }
0x4: {  	_ = 	snop  }
0x5: {  	_ = 	snop  }
0x6: {  	_ = 	snop  }
0x7: {  	_ = 	snop  }
__scs_overlays_trampoline_lowered:
0x8: {  	[smem:$0x3FA8] =	sst s0  }
0x9: {  	[smem:$0x3FA9] =	sst s1  }
0xa: {  	[smem:$0x3FAA] =	sst s2  }
0xb: {  	[smem:$0x3FAB] =	sst s3  }
0xc: {  	[smem:$0x3FAC] =	sst s4  }
0xd: {  	[smem:$0x3FAD] =	sst s5  }
0xe: {  	[smem:$0x3FAE] =	sst s6  }
0xf: {  	[smem:$0x3FAF] =	sst s7  }
0x10: {  	[smem:$0x3FB0] =	sst s8  }
0x11: {  	[smem:$0x3FB1] =	sst s9;
	s0 =	simm.s32 @!p0 $0x0  }
0x12: {  	s1 =	sld [smem:$0x3F97];
	s0 =	simm.s32 @p0 $0x1  }
0x13: {  	[smem:$0x3FB2] =	sst s0;
	s0 =	simm.s32 @!p1 $0x0  }
0x14: {  	s2 =	sld [smem:$0x3F96];
	s0 =	simm.s32 @p1 $0x1  }
0x15: {  	[smem:$0x3FB3] =	sst s0;
	s0 =	simm.s32 @!p2 $0x0  }
0x16: {  	s3 =	sld [smem:$0x3FDB];
	s0 =	simm.s32 @p2 $0x1  }
0x17: {  	s4 =	simm.s32 $0x1BF5;
	[smem:$0x3FB5] =	sst s0  }
0x18: {  	s0 =	sld [smem:$0x3F98];
	_ =	swait.ge [sflag:s4], $0x0  }
0x19: {  	s7 =	sld [smem:$0x3F99]  }
0x1a: {  	s8 =	sadd.s32 $0xFFFFE003, lr  }
0x1b: {  	s9 =	sadd.s32 $0xFFFFFEF7, lr;
	s5 =	simm.s32 $0xFFFFFFFF;
	p2 =	slt.u32 s8, $0xFFFFF086  }
0x1c: {  	p1 =	slt.u32 s9, $0xF7A;
	s5 =	simm.s32 @!p2 $0x0  }
0x1d: {  	s5 =	simm.s32 @p1 $0x1;
	p0 =	seq.s32 s7, s2  }
0x1e: {  	s7 =	smul.u32 @!p0 $0xF7A, s2;
	p2 =	seq.s32 @!p0 s5, $0x0  }
0x1f: {  	s9 =	smul.u32 $0xF7A, s1;
	s8 =	simm.s32 @!p0 $0x1BF5;
	p2 =	por !p2, p0  }
0x20: {  	[sflag:s8] =	ssyncset.s32 @!p0 $0xFFFFF086;
	s6 =	sadd.s32 @!p0 s3, s7;
	s7 =	simm.s32 @!p0 $0x108  }
0x21: {  	s3 =	sadd.s32 s3, s9;
	s6 =	sadd.s32 @!p0 $0x88, s6;
	s7 =	simm.s32 @p2 $0x1082  }
0x22: {  	[simem:s7], [sflag:s8] =	dma.local @!p0 [hbm:s6], $0xF7A  }
0x23: {  	s9 =	sor.u32 $0xD0000000, s2;
	s6 =	simm.s32 $0x108;
	_ =	swait.ge @!p0 [sflag:s8], $0x0  }
0x24: {  	s3 =	sadd.s32 $0x88, s3;
	s6 =	simm.s32 @!p1 $0x1082;
	[sflag:s4] =	ssyncset.s32 $0xFFFFF086  }
0x25: {  	[simem:s6], [sflag:s4] =	dma.local [hbm:s3], $0xF7A  }
0x26: {  	[smem:$0x3F99] =	sst s1;
	(tag) =	ssettag s2;
	_ =	strace s9  }
0x27: {  	s1 =	sld [smem:$0x3FA9]  }
0x28: {  	s2 =	sld [smem:$0x3FAA]  }
0x29: {  	s4 =	sld [smem:$0x3FAC]  }
0x2a: {  	p0 =	seq.s32 s5, $0x0;
	s5 =	sld [smem:$0x3FAD]  }
0x2b: {  	s6 =	sld [smem:$0x3FAE]  }
0x2c: {  	s7 =	sld [smem:$0x3FAF]  }
0x2d: {  	s3 =	simm.s32 $0x108;
	s8 =	sld [smem:$0x3FB0]  }
0x2e: {  	s3 =	simm.s32 @!p0 $0x1082;
	s9 =	sld [smem:$0x3FB1]  }
0x2f: {  	lr =	sadd.s32 s0, s3;
	s0 =	sld [smem:$0x3FA8]  }
0x30: {  	s3 =	sld [smem:$0x3FAB]  }
0x31: {  	[smem:$0x3FB4] =	sst s10  }
0x32: {  	s10 =	sld [smem:$0x3FB2];
	_ =	sdelay $0x3  }
0x33: {  	p0 =	seq.s32 s10, $0x1;
	s10 =	sld [smem:$0x3FB4];
	_ =	sdelay $0x3  }
0x34: {  	[smem:$0x3FB4] =	sst s10  }
0x35: {  	s10 =	sld [smem:$0x3FB3];
	_ =	sdelay $0x3  }
0x36: {  	p1 =	seq.s32 s10, $0x1;
	s10 =	sld [smem:$0x3FB4];
	_ =	sdelay $0x3  }
0x37: {  	[smem:$0x3FB4] =	sst s10  }
0x38: {  	s10 =	sld [smem:$0x3FB5]  }
0x39: {  	_ = 	snop;
	(pc) =	sbr.ind lr, $3  }
0x3a: {  	_ = 	snop  }
0x3b: {  	_ = 	snop  }
0x3c: {  	p2 =	seq.s32 s10, $0x1;
	s10 =	sld [smem:$0x3FB4]  }
0x3d: {  	_ =	shalt  }
0x3e: {  	_ =	shalt  }
0x3f: {  	_ =	shalt  }
0x40: {  	_ =	shalt  }
0x41: {  	_ =	shalt  }
0x42: {  	_ =	shalt  }
0x43: {  	_ =	shalt  }
0x44: {  	_ =	shalt  }
0x45: {  	_ =	shalt  }
0x46: {  	_ =	shalt  }
0x47: {  	_ =	shalt  }
0x48: {  	_ =	shalt  }
0x49: {  	_ =	shalt  }
0x4a: {  	_ =	shalt  }
0x4b: {  	_ =	shalt  }
0x4c: {  	_ =	shalt  }
0x4d: {  	_ =	shalt  }
0x4e: {  	_ =	shalt  }
0x4f: {  	_ =	shalt  }
0x50: {  	_ =	shalt  }
0x51: {  	_ =	shalt  }
0x52: {  	_ =	shalt  }
0x53: {  	_ =	shalt  }
0x54: {  	_ =	shalt  }
0x55: {  	_ =	shalt  }
0x56: {  	_ =	shalt  }
0x57: {  	_ =	shalt  }
0x58: {  	_ =	shalt  }
0x59: {  	_ =	shalt  }
0x5a: {  	_ =	shalt  }
0x5b: {  	_ =	shalt  }
0x5c: {  	_ =	shalt  }
0x5d: {  	_ =	shalt  }
0x5e: {  	_ =	shalt  }
0x5f: {  	_ =	shalt  }
0x60: {  	_ =	shalt  }
0x61: {  	_ =	shalt  }
0x62: {  	_ =	shalt  }
0x63: {  	_ =	shalt  }
0x64: {  	_ =	shalt  }
0x65: {  	_ =	shalt  }
0x66: {  	_ =	shalt  }
0x67: {  	_ =	shalt  }
0x68: {  	_ =	shalt  }
0x69: {  	_ =	shalt  }
0x6a: {  	_ =	shalt  }
0x6b: {  	_ =	shalt  }
0x6c: {  	_ =	shalt  }
0x6d: {  	_ =	shalt  }
0x6e: {  	_ =	shalt  }
0x6f: {  	_ =	shalt  }
0x70: {  	_ =	shalt  }
0x71: {  	_ =	shalt  }
0x72: {  	_ =	shalt  }
0x73: {  	_ =	shalt  }
0x74: {  	_ =	shalt  }
0x75: {  	_ =	shalt  }
0x76: {  	_ =	shalt  }
0x77: {  	_ =	shalt  }
0x78: {  	_ =	shalt  }
0x79: {  	_ =	shalt  }
0x7a: {  	_ =	shalt  }
0x7b: {  	_ =	shalt  }
0x7c: {  	_ =	shalt  }
0x7d: {  	_ =	shalt  }
0x7e: {  	_ =	shalt  }
0x7f: {  	_ =	shalt  }
0x80: {  	_ =	shalt  }
0x81: {  	_ =	shalt  }
0x82: {  	_ =	shalt  }
0x83: {  	_ =	shalt  }
0x84: {  	_ =	shalt  }
0x85: {  	_ =	shalt  }
0x86: {  	_ =	shalt  }
0x87: {  	_ =	shalt  }
.Lfunc_end0:
.L_simem_size_0:
called_computation_lowered:
.L_overlay_start_0:
0x88: {  	s2 =	sld [smem:$0x3FD9]  }
0x89: {  	s3 =	sld [smem:$0x3FFE];
	_ =	sdelay $0x1  }
0x8a: {  	s1 =	srdreg.scid  }
0x8b: {  	s0 =	sand.u32 $0x1, s1  }
0x8c: {  	s17 =	sshll.u32 s0, $0xA;
	s2 =	sadd.s32 s3, s2  }
0x8d: {  	s2 =	sadd.s32 s2, s17  }
0x8e: {  	[smem:$0x3FC0] =	sst s2  }
0x8f: {  	_ = 	snop  }
0x90: {  	s2 =	sld [smem:$0x3FC9]  }
0x91: {  	s18 =	sld [smem:$0x3FC8]  }
0x92: {  	s4 =	sld [smem:$0x3FC7]  }
0x93: {  	s5 =	sld [smem:$0x3FC6]  }
0x94: {  	s6 =	sld [smem:$0x3FC5]  }
0x95: {  	s7 =	sld [smem:$0x3FC4];
	(tm) =	ssettm $0x1  }
0x96: {  	s8 =	sld [smem:$0x3FFB];
	_ =	sdelay $0x3  }
0x97: {  	_ =	strace s8  }
0x98: {  	s8 =	sld [smem:$0x3FFC];
	_ =	sdelay $0x3  }
0x99: {  	_ =	strace s8  }
0x9a: {  	s8 =	sld [smem:$0x3FFD];
	_ =	sdelay $0x3  }
0x9b: {  	_ =	strace s8  }
0x9c: {  	_ =	strace $0x8FFFFFFF  }
0x9d: {  	s19 =	sld [smem:$0x3FDB];
	_ =	sdelay $0x1  }
0x9e: {  	s9 =	simm.s32 $_scs_section_size  }
0x9f: {  	s10 =	simm.s32 $_size__tile_overlayer_lowered;
	s11 =	simm.s32 $_tile_overlayer_lowered  }
0xa0: {  	s22 =	simm.s32 $0x1BFF;
	s21 =	sshll.u32 s11, $0x1;
	s8 =	sadd.s32 s9, s19  }
0xa1: {  	s12 =	simm.s32 $0x0;
	s20 =	sshll.u32 s10, $0x1;
	s10 =	sadd.s32 s21, s8  }
0xa2: {  	[timem:s12], [sflag:s22] =	dma.local [hbm:s10], s20  }
0xa3: {  	_ =	swait.ge [sflag:s22], s20  }
0xa4: {  	s9 =	ssub.s32 $0x0, s20;
	[sflag:s22] =	ssyncset.done $0x0  }
0xa5: {  	[sflag:s22] =	ssyncadd.s32 s9;
	_ =	sdelay $0x1  }
0xa6: {  	s23 =	simm.s32 $0x1B8B  }
0xa7: {  	_ =	swait.ge [sflag:s23], $0x1  }
0xa8: {  	[sflag:s23] =	ssyncset.done $0x0  }
0xa9: {  	s25 =	simm.s32 $0x1B8E;
	s24 =	sld [smem:$0x3FFE];
	[sflag:s23] =	ssyncadd.s32 $0xFFFFFFFF  }
0xaa: {  	s26 =	simm.s32 $execute0_lowered;
	[smem:$0x3FD2] =	sst s25  }
0xab: {  	s10 =	sshll.u32 s26, $0x1;
	_ =	strace $0x80000046;
	[dreg:$0x1] =	wrdreg $0xFFFFFFFF  }
0xac: {  	s28 =	simm.s32 $_size_execute0_lowered;
	s8 =	sadd.s32 s8, s10;
	[dreg:$0x0] =	wrdreg $0x0  }
0xad: {  	s10 =	sshll.u32 s28, $0x1;
	[dreg:$0x2] =	wrdreg s8  }
0xae: {  	[dreg:$0x3] =	wrdreg s10  }
0xaf: {  	[dreg:$0x4] =	wrdreg $0xC0  }
0xb0: {  	_ =	task [dreg:s12], $0x5FFFF  }
0xb1: {  	[dreg:$0x1] =	wrdreg $0xFFFFFFFF  }
0xb2: {  	[dreg:$0x0] =	wrdreg $0x60  }
0xb3: {  	[dreg:$0x2] =	wrdreg s2  }
0xb4: {  	[dreg:$0x3] =	wrdreg s18  }
0xb5: {  	[dreg:$0x4] =	wrdreg s4  }
0xb6: {  	[dreg:$0x5] =	wrdreg s5  }
0xb7: {  	[dreg:$0x6] =	wrdreg s6  }
0xb8: {  	[dreg:$0x7] =	wrdreg s7  }
0xb9: {  	[dreg:$0x8] =	wrdreg s24  }
0xba: {  	[dreg:$0x9] =	wrdreg $0x9  }
0xbb: {  	_ =	task.clear_ibuf [dreg:s12], $0xAFFFF;
	_ =	strace $0x90000046  }
0xbc: {  	s29 =	simm.s32 $0x9;
	_ =	strace $0x80000048  }
0xbd: {  	_ =	swait.ge [sflag:s29], $0x1  }
0xbe: {  	[sflag:s29] =	ssyncadd.s32 $0xFFFFFFFF  }
0xbf: {  	_ =	strace $0x90000048  }
0xc0: {  	_ =	sfence  }
0xc1: {  	s30 =	sld [smem:$0x0];
	_ =	sdelay $0x2  }
0xc2: {  	s31 =	sshll.u32 s1, $0xD;
	s1 =	sshrl.u32 s1, $0x2  }
0xc3: {  	s3 =	sand.u32 $0x4000, s31;
	s1 =	sadd.s32 s1, s30  }
0xc4: {  	s0 =	sor.u32 s3, s0;
	s1 =	sshll.u32 s1, $0x11  }
0xc5: {  	s0 =	sor.u32 s1, s0  }
0xc6: {  	s0 =	sadd.s32 $0x8F2B, s0  }
0xc7: {  	[sflag:s0] =	ssyncadd.remote.s32 $0x1  }
0xc8: {  	_ =	sfence.sel $0xFFFF  }
0xc9: {  	[dreg:$0x0] =	wrdreg $0xFFFFFFFF;
	(pc) =	sbr.abs _section_cstart, $3  }
0xca: {  	[dreg:$0x1] =	wrdreg $0xFFFFFFFF  }
0xcb: {  	_ =	task.clear_ibuf [dreg:s12], $0x2FFFF;
	_ =	strace $0x9FFFFFFF  }
0xcc: {  	(tm) =	ssettm $0x7FFFFFFF  }
0xcd: {  	_ =	shalt  }
tec
execute0_lowered:
.L_overlay_start_1:
0x0: {  	(tag) =	ssettag $0x1  }
0x1: {  	s0 =	rddreg [dreg:$0x0]  }
0x2: {  	s3 =	rddreg [dreg:$0x1]  }
0x3: {  	s4 =	rddreg [dreg:$0x2]  }
0x4: {  	s6 =	rddreg [dreg:$0x3]  }
0x5: {  	s1 =	rddreg [dreg:$0x4]  }
0x6: {  	s2 =	rddreg [dreg:$0x5]  }
0x7: {  	s11 =	rddreg [dreg:$0x6];
	s5 =	simm.s32 $0x0  }
0x8: {  	s7 =	srdreg.scid;
	s8 =	stileid.u32;
	s13 =	simm.s32 $0x200  }
0x9: {  	s14 =	simm.s32 $0x6;
	s15 =	simm.s32 $0x40;
	s16 =	simm.s32 $0x800  }
0xa: {  	s17 =	simm.s32 $0x8800;
	s18 =	simm.s32 $0x2800;
	s20 =	simm.s32 $0xA800  }
0xb: {  	s22 =	simm.s32 $0x4800;
	s24 =	simm.s32 $0xC800;
	s29 =	simm.s32 $0xE800  }
0xc: {  	s19 =	simm.s32 $0x5;
	s21 =	simm.s32 $0x1;
	s28 =	simm.s32 $0x2  }
0xd: {  	s25 =	simm.s32 $0x4;
	s23 =	simm.s32 $0x7;
	s30 =	simm.s32 $0x0  }
0xe: {  	[smem:$0x7FF] =	sst s5;
	s7 =	sand.u32 $0x1, s7;
	s8 =	sshll.u32 s8, $0x1  }
0xf: {  	s9 =	sadd.s32 $0x3200, s11;
	_ =	strace $0x80000047;
	s8 =	sor.u32 s7, s8  }
0x10: {  	s7 =	ssub.s32 $0x2, s7;
	[dreg:$0x8] =	wrdreg s9;
	s26 =	sshll.u32 s8, $0x4  }
0x11: {  	s10 =	sshrl.u32 s7, $0x1;
	s31 =	sshll.u32 s8, $0x6;
	s11 =	sadd.s32 s26, s11  }
0x12: {  	s12 =	ssub.s32 s7, s10;
	s7 =	sadd.s32 s0, s31;
	s8 =	sadd.s32 s3, s31  }
0x13: {  	v0 =	vlaneseq.u32;
	s9 =	sadd.s32 s4, s31;
	s10 =	sadd.s32 s6, s31;
	s26 =	simm.s32 $0x6800  }
0x14: {  	v1 =	vmul.u32 $0x80, v0;
	s0 =	simm.s32 $0x3;
	s11 =	sadd.s32 $0x6400, s11;
	s12 =	smax.u32 s12, $0x1  }
.LBB2_1:
0x15: {  	[tilespmem:s5], [sflag:$0x6] =	stream.linear.gather [hbm4b:s7+s5], $0x200, $0x38;
	[tilespmem:$0x10C80] =	vst v63  }
0x16: {  	_ = 	snop  }
0x17: {  	[tilespmem:s13], [sflag:$0x6] =	stream.linear.gather [hbm4b:s8+s5], $0x200, $0x38;
	[tilespmem:$0x10C80] =	vst v63  }
0x18: {  	_ =	swait.ge [sflag:s14], $0x200  }
0x19: {  	[sflag:s14] =	ssyncset.done $0x0  }
0x1a: {  	[sflag:s14] =	ssyncadd.s32 $0xFFFFFE00  }
0x1b: {  	_ =	swait.ge [sflag:s14], $0x200  }
0x1c: {  	[sflag:s14] =	ssyncset.done $0x0  }
0x1d: {  	[sflag:s14] =	ssyncadd.s32 $0xFFFFFE00  }
0x1e: {  	[tilespmem:s16], [sflag:$0x1] =	stream.indirect.gather [hbm4b:s1+s15], $0x80, s5, s15, $0xb8;
	[tilespmem:$0x10C80] =	vst v63  }
0x1f: {  	_ = 	snop  }
0x20: {  	[tilespmem:s17], [sflag:$0x1] =	stream.indirect.gather [hbm4b:s2+s15], $0x80, s13, s15, $0xb8;
	[tilespmem:$0x10C80] =	vst v63  }
0x21: {  	_ = 	snop  }
0x22: {  	[tilespmem:s18], [sflag:$0x2] =	stream.indirect.gather [hbm4b:s1+s15], $0x80, s15, s15, $0xb8;
	[tilespmem:$0x10C80] =	vst v63  }
0x23: {  	s3 =	simm.s32 $0x240  }
0x24: {  	[tilespmem:s20], [sflag:$0x2] =	stream.indirect.gather [hbm4b:s2+s15], $0x80, s3, s15, $0xb8;
	[tilespmem:$0x10C80] =	vst v63  }
0x25: {  	s6 =	simm.s32 $0x80  }
0x26: {  	[tilespmem:s22], [sflag:$0x3] =	stream.indirect.gather [hbm4b:s1+s15], $0x80, s6, s15, $0xb8;
	[tilespmem:$0x10C80] =	vst v63  }
0x27: {  	s4 =	simm.s32 $0x280  }
0x28: {  	[tilespmem:s24], [sflag:$0x3] =	stream.indirect.gather [hbm4b:s2+s15], $0x80, s4, s15, $0xb8;
	[tilespmem:$0x10C80] =	vst v63  }
0x29: {  	s6 =	simm.s32 $0xC0  }
0x2a: {  	[tilespmem:s26], [sflag:$0x4] =	stream.indirect.gather [hbm4b:s1+s15], $0x80, s6, s15, $0xb8;
	[tilespmem:$0x10C80] =	vst v63  }
0x2b: {  	s4 =	simm.s32 $0x2C0  }
0x2c: {  	[tilespmem:s29], [sflag:$0x4] =	stream.indirect.gather [hbm4b:s2+s15], $0x80, s4, s15, $0xb8;
	[tilespmem:$0x10C80] =	vst v63  }
0x2d: {  	s6 =	rddreg [dreg:$0x6];
	s4 =	simm.s32 $0x10800  }
0x2e: {  	[tilespmem:s4], [sflag:$0x5] =	stream.indirect.gather [hbm4b:s6+s13], $0x1, s5, s13, $0xb8;
	[tilespmem:$0x10C80] =	vst v63  }
0x2f: {  	s4 =	rddreg [dreg:$0x8];
	s6 =	simm.s32 $0x10A00  }
0x30: {  	[tilespmem:s6], [sflag:$0x5] =	stream.indirect.gather [hbm4b:s4+s13], $0x1, s13, s13, $0xb8;
	[tilespmem:$0x10C80] =	vst v63  }
0x31: {  	s4 =	simm.s32 $0x400  }
0x32: {  	[tilespmem:s4], [sflag:$0x6] =	stream.linear.gather [hbm4b:s9+s5], $0x200, $0x38;
	[tilespmem:$0x10C80] =	vst v63  }
0x33: {  	s6 =	simm.s32 $0x600  }
0x34: {  	[tilespmem:s6], [sflag:$0x6] =	stream.linear.gather [hbm4b:s10+s5], $0x200, $0x38;
	[tilespmem:$0x10C80] =	vst v63  }
0x35: {  	_ =	swait.ge [sflag:s19], $0x200  }
0x36: {  	[sflag:s19] =	ssyncset.done $0x0  }
0x37: {  	[sflag:s19] =	ssyncadd.s32 $0xFFFFFE00  }
0x38: {  	_ =	swait.ge [sflag:s19], $0x200  }
0x39: {  	[sflag:s19] =	ssyncset.done $0x0  }
0x3a: {  	[sflag:s19] =	ssyncadd.s32 $0xFFFFFE00  }
0x3b: {  	_ =	swait.ge [sflag:s14], $0x200  }
0x3c: {  	[sflag:s14] =	ssyncset.done $0x0  }
0x3d: {  	[sflag:s14] =	ssyncadd.s32 $0xFFFFFE00  }
0x3e: {  	_ =	swait.ge [sflag:s14], $0x200  }
0x3f: {  	[sflag:s14] =	ssyncset.done $0x0  }
0x40: {  	[sflag:s14] =	ssyncadd.s32 $0xFFFFFE00  }
0x41: {  	_ =	swait.ge [sflag:s21], $0x2000  }
0x42: {  	[sflag:s21] =	ssyncset.done $0x0  }
0x43: {  	[sflag:s21] =	ssyncadd.s32 $0xFFFFE000  }
0x44: {  	_ =	swait.ge [sflag:s21], $0x2000  }
0x45: {  	[sflag:s21] =	ssyncset.done $0x0  }
0x46: {  	v3 =	vimm.f32 $0.0e+00;
	v2 =	vimm.f32 $0.0e+00;
	s31 =	simm.s32 $0x0;
	[sflag:s21] =	ssyncadd.s32 $0xFFFFE000  }
.LBB2_2:
0x47: {  	s3 =	sshll.u32 s31, $0x4  }
0x48: {  	s4 =	simm.s32 $0x0;
	v4 =	vmov s3  }
0x49: {  	v11 =	vadd.s32 s4, v0;
	v4 =	vshll.u32 v4, $0x7  }
0x4a: {  	v15 =	vand.u32 $0xF, v11;
	v5 =	vor.u32 v1, v4  }
0x4b: {  	v16 =	vor.u32 v5, v15  }
0x4c: {  	v6 =	vor.u32 $0x70, v5  }
0x4d: {  	v10 =	vor.u32 v6, v11  }
0x4e: {  	v7 =	vor.u32 $0x50, v5  }
0x4f: {  	v12 =	vor.u32 v7, v11  }
0x50: {  	v8 =	vor.u32 $0x30, v5;
	v22 =	vld.idx.msk [tilespmem:v16+s16+$0x0], $0xffff  }
0x51: {  	v13 =	vor.u32 v8, v11;
	v16 =	vld.idx.msk [tilespmem:v16+s17+$0x0], $0xffff  }
0x52: {  	v9 =	vor.u32 $0x10, v5;
	v4 =	vld.idx.msk [tilespmem:v10+s16+$0x0], $0xffff  }
0x53: {  	v14 =	vor.u32 v9, v11;
	v10 =	vld.idx.msk [tilespmem:v10+s17+$0x0], $0xffff  }
0x54: {  	v11 =	vor.u32 $0x20, v5;
	v27 =	vld.idx.msk [tilespmem:v12+s16+$0x0], $0xffff  }
0x55: {  	s6 =	simm.s32 $0x1;
	v17 =	vor.u32 v11, v15;
	v31 =	vld.idx.msk [tilespmem:v12+s17+$0x0], $0xffff  }
0x56: {  	v28 =	vadd.s32 s6, v0;
	v24 =	vld.idx.msk [tilespmem:v13+s16+$0x0], $0xffff  }
0x57: {  	v29 =	vor.u32 v6, v28;
	v26 =	vld.idx.msk [tilespmem:v13+s17+$0x0], $0xffff;
	v12 =	vor.u32 $0x40, v5  }
0x58: {  	v18 =	vld.idx.msk [tilespmem:v14+s16+$0x0], $0xffff;
	v20 =	vor.u32 v12, v15  }
0x59: {  	v14 =	vld.idx.msk [tilespmem:v14+s17+$0x0], $0xffff;
	v13 =	vor.u32 $0x60, v5  }
0x5a: {  	v15 =	vor.u32 v13, v15;
	v30 =	vld.idx.msk [tilespmem:v17+s16+$0x0], $0xffff  }
0x5b: {  	v32 =	vld.idx.msk [tilespmem:v17+s17+$0x0], $0xffff  }
0x5c: {  	v33 =	vmul.f32 v16, v22;
	v16 =	vld.idx.msk [tilespmem:v29+s16+$0x0], $0xffff  }
0x5d: {  	v25 =	vor.u32 v7, v28;
	v19 =	vld.idx.msk [tilespmem:v20+s16+$0x0], $0xffff  }
0x5e: {  	v21 =	vld.idx.msk [tilespmem:v20+s17+$0x0], $0xffff  }
0x5f: {  	v23 =	vor.u32 v8, v28;
	v14 =	vmul.f32 v14, v18;
	v17 =	vld.idx.msk [tilespmem:v15+s16+$0x0], $0xffff  }
0x60: {  	v22 =	vor.u32 v9, v28;
	v18 =	vand.u32 $0xF, v28;
	v26 =	vmul.f32 v26, v24;
	v20 =	vld.idx.msk [tilespmem:v15+s17+$0x0], $0xffff  }
0x61: {  	v15 =	vld.idx.msk [tilespmem:v29+s17+$0x0], $0xffff;
	v29 =	vadd.f32 v33, v3;
	v30 =	vmul.f32 v32, v30;
	v28 =	vadd.f32 v14, v3  }
0x62: {  	s4 =	simm.s32 $0x2;
	v27 =	vmul.f32 v31, v27;
	v24 =	vor.u32 v5, v18;
	v14 =	vld.idx.msk [tilespmem:v25+s16+$0x0], $0xffff  }
.LBB2_3:
0x63: {  	p0 =	sne.s32 s4, $0xF;
	v31 =	vld.idx.msk [tilespmem:v25+s17+$0x0], $0xffff;
	v25 =	vadd.f32 v30, v29;
	v26 =	vadd.f32 v26, v28;
	v19 =	vmul.f32 v21, v19  }
0x64: {  	v21 =	vor.u32 v11, v18;
	v10 =	vmul.f32 v10, v4;
	v28 =	vld.idx.msk [tilespmem:v23+s16+$0x0], $0xffff  }
0x65: {  	v17 =	vmul.f32 v20, v17;
	v29 =	vld.idx.msk [tilespmem:v23+s17+$0x0], $0xffff;
	v19 =	vadd.f32 v19, v25;
	v23 =	vadd.f32 v27, v26  }
0x66: {  	v4 =	vmov v16;
	v20 =	vld.idx.msk [tilespmem:v22+s16+$0x0], $0xffff  }
0x67: {  	v16 =	vld.idx.msk [tilespmem:v22+s17+$0x0], $0xffff;
	v22 =	vor.u32 v12, v18;
	v27 =	vadd.f32 v17, v19;
	v30 =	vadd.f32 v10, v23  }
0x68: {  	v10 =	vmov v15;
	v26 =	vld.idx.msk [tilespmem:v24+s16+$0x0], $0xffff  }
0x69: {  	v18 =	vor.u32 v13, v18;
	v15 =	vld.idx.msk [tilespmem:v24+s17+$0x0], $0xffff  }
0x6a: {  	v24 =	vadd.s32 s4, v0;
	v32 =	vld.idx.msk [tilespmem:v21+s16+$0x0], $0xffff  }
0x6b: {  	v33 =	vor.u32 v6, v24;
	v34 =	vld.idx.msk [tilespmem:v21+s17+$0x0], $0xffff  }
0x6c: {  	v19 =	vld.idx.msk [tilespmem:v22+s16+$0x0], $0xffff  }
0x6d: {  	v25 =	vor.u32 v7, v24;
	v21 =	vld.idx.msk [tilespmem:v22+s17+$0x0], $0xffff  }
.Ltmp0:
0x6e: {  	v17 =	vld.idx.msk [tilespmem:v18+s16+$0x0], $0xffff;
	(pc) =	sbr.rel @p0 .LBB2_3-.Ltmp0, $4  }
0x6f: {  	v23 =	vor.u32 v8, v24;
	v36 =	vmul.f32 v16, v20;
	v35 =	vmul.f32 v15, v26;
	v20 =	vld.idx.msk [tilespmem:v18+s17+$0x0], $0xffff  }
0x70: {  	v22 =	vor.u32 v9, v24;
	v26 =	vmul.f32 v29, v28;
	v18 =	vand.u32 $0xF, v24;
	v16 =	vld.idx.msk [tilespmem:v33+s16+$0x0], $0xffff  }
0x71: {  	v28 =	vadd.f32 v36, v30;
	v29 =	vadd.f32 v35, v27;
	v30 =	vmul.f32 v34, v32;
	v15 =	vld.idx.msk [tilespmem:v33+s17+$0x0], $0xffff  }
0x72: {  	s4 =	sadd.s32 $0x1, s4;
	v24 =	vor.u32 v5, v18;
	v27 =	vmul.f32 v31, v14;
	v14 =	vld.idx.msk [tilespmem:v25+s16+$0x0], $0xffff  }
0x73: {  	_ =	sdelay $0x3  }
0x74: {  	v5 =	vld.idx.msk [tilespmem:v25+s17+$0x0], $0xffff  }
0x75: {  	v6 =	vld.idx.msk [tilespmem:v23+s16+$0x0], $0xffff  }
0x76: {  	v7 =	vor.u32 v11, v18;
	v8 =	vld.idx.msk [tilespmem:v23+s17+$0x0], $0xffff  }
0x77: {  	v9 =	vld.idx.msk [tilespmem:v22+s16+$0x0], $0xffff  }
0x78: {  	v48 =	vld.idx.msk [tilespmem:v22+s17+$0x0], $0xffff;
	v12 =	vor.u32 v12, v18  }
0x79: {  	v49 =	vld.idx.msk [tilespmem:v24+s16+$0x0], $0xffff  }
0x7a: {  	v50 =	vadd.f32 v30, v29;
	v19 =	vmul.f32 v21, v19;
	v13 =	vor.u32 v13, v18;
	v51 =	vld.idx.msk [tilespmem:v24+s17+$0x0], $0xffff  }
0x7b: {  	v52 =	vadd.f32 v26, v28;
	v53 =	vld.idx.msk [tilespmem:v7+s16+$0x0], $0xffff  }
0x7c: {  	v17 =	vmul.f32 v20, v17;
	v19 =	vadd.f32 v19, v50;
	v7 =	vld.idx.msk [tilespmem:v7+s17+$0x0], $0xffff  }
0x7d: {  	v4 =	vmul.f32 v10, v4;
	v54 =	vadd.f32 v27, v52;
	v55 =	vld.idx.msk [tilespmem:v12+s16+$0x0], $0xffff  }
0x7e: {  	v17 =	vadd.f32 v17, v19;
	v12 =	vld.idx.msk [tilespmem:v12+s17+$0x0], $0xffff  }
0x7f: {  	v4 =	vadd.f32 v4, v54;
	v56 =	vld.idx.msk [tilespmem:v13+s16+$0x0], $0xffff;
	v18 =	vmul.f32 v51, v49;
	v9 =	vmul.f32 v48, v9  }
0x80: {  	v57 =	vld.idx.msk [tilespmem:v13+s17+$0x0], $0xffff;
	v6 =	vmul.f32 v8, v6  }
0x81: {  	v58 =	vadd.f32 v18, v17;
	v4 =	vadd.f32 v9, v4;
	v7 =	vmul.f32 v7, v53  }
0x82: {  	v5 =	vmul.f32 v5, v14  }
0x83: {  	v4 =	vadd.f32 v6, v4;
	v59 =	vmul.f32 v12, v55;
	v7 =	vadd.f32 v7, v58  }
0x84: {  	v60 =	vmul.f32 v15, v16  }
0x85: {  	v4 =	vadd.f32 v5, v4;
	v5 =	vmul.f32 v57, v56;
	v6 =	vadd.f32 v59, v7  }
0x86: {  	v61 =	vld [tilespmem:s3+$0x10800]  }
0x87: {  	v4 =	vadd.f32 v60, v4;
	v5 =	vadd.f32 v5, v6  }
0x88: {  	v62 =	vld [tilespmem:s3+$0x10A00]  }
0x89: {  	v4 =	vadd.f32 v4, v5  }
0x8a: {  	v5 =	vld [tilespmem:s3+$0x400]  }
0x8b: {  	v4 =	vadd.f32 v61, v4  }
0x8c: {  	v63 =	vld [tilespmem:s3+$0x600]  }
0x8d: {  	v4 =	vadd.f32 v62, v4;
	_ =	sdelay $0x1  }
0x8e: {  	s31 =	sadd.s32 $0x1, s31;
	v4 =	vsub.f32 v4, v5  }
0x8f: {  	p0 =	sne.s32 s31, $0x4  }
.Ltmp1:
0x90: {  	v5 =	vmul.f32 v4, v63;
	(pc) =	sbr.rel @p0 .LBB2_2-.Ltmp1, $3  }
0x91: {  	_ = 	snop  }
0x92: {  	v4 =	vmul.f32 v5, v4;
	_ =	sdelay $0x1  }
0x93: {  	v2 =	vadd.f32 v4, v2  }
0x94: {  	s3 =	simm.s32 $0x100  }
0x95: {  	[tilespmem:s16], [sflag:$0x1] =	stream.indirect.gather [hbm4b:s1+s15], $0x80, s3, s15, $0xb8;
	[tilespmem:$0x10C80] =	vst v63  }
0x96: {  	s6 =	simm.s32 $0x300  }
0x97: {  	[tilespmem:s17], [sflag:$0x1] =	stream.indirect.gather [hbm4b:s2+s15], $0x80, s6, s15, $0xb8;
	[tilespmem:$0x10C80] =	vst v63  }
0x98: {  	_ =	swait.ge [sflag:s28], $0x2000  }
0x99: {  	[sflag:s28] =	ssyncset.done $0x0  }
0x9a: {  	[sflag:s28] =	ssyncadd.s32 $0xFFFFE000  }
0x9b: {  	_ =	swait.ge [sflag:s28], $0x2000  }
0x9c: {  	[sflag:s28] =	ssyncset.done $0x0  }
0x9d: {  	s31 =	simm.s32 $0x0;
	s3 =	simm.s32 $0x0;
	[sflag:s28] =	ssyncadd.s32 $0xFFFFE000  }
.LBB2_6:
0x9e: {  	s4 =	sshll.u32 s3, $0x4  }
0x9f: {  	v3 =	vmov s4  }
0xa0: {  	v10 =	vadd.s32 s31, v0;
	v3 =	vshll.u32 v3, $0x7  }
0xa1: {  	v14 =	vand.u32 $0xF, v10;
	v4 =	vor.u32 v1, v3  }
0xa2: {  	v15 =	vor.u32 v4, v14  }
0xa3: {  	v5 =	vor.u32 $0x70, v4  }
0xa4: {  	v9 =	vor.u32 v5, v10  }
0xa5: {  	v6 =	vor.u32 $0x50, v4  }
0xa6: {  	v11 =	vor.u32 v6, v10  }
0xa7: {  	v7 =	vor.u32 $0x30, v4;
	v21 =	vld.idx.msk [tilespmem:v15+s18+$0x0], $0xffff  }
0xa8: {  	v12 =	vor.u32 v7, v10;
	v15 =	vld.idx.msk [tilespmem:v15+s20+$0x0], $0xffff  }
0xa9: {  	v8 =	vor.u32 $0x10, v4;
	v3 =	vld.idx.msk [tilespmem:v9+s18+$0x0], $0xffff  }
0xaa: {  	v13 =	vor.u32 v8, v10;
	v9 =	vld.idx.msk [tilespmem:v9+s20+$0x0], $0xffff  }
0xab: {  	v10 =	vor.u32 $0x20, v4;
	v26 =	vld.idx.msk [tilespmem:v11+s18+$0x0], $0xffff  }
0xac: {  	s6 =	simm.s32 $0x1;
	v16 =	vor.u32 v10, v14;
	v30 =	vld.idx.msk [tilespmem:v11+s20+$0x0], $0xffff  }
0xad: {  	v27 =	vadd.s32 s6, v0;
	v24 =	vld.idx.msk [tilespmem:v12+s18+$0x0], $0xffff  }
0xae: {  	v28 =	vor.u32 v5, v27;
	v25 =	vld.idx.msk [tilespmem:v12+s20+$0x0], $0xffff;
	v11 =	vor.u32 $0x40, v4  }
0xaf: {  	v17 =	vld.idx.msk [tilespmem:v13+s18+$0x0], $0xffff;
	v19 =	vor.u32 v11, v14  }
0xb0: {  	v13 =	vld.idx.msk [tilespmem:v13+s20+$0x0], $0xffff;
	v12 =	vor.u32 $0x60, v4  }
0xb1: {  	v14 =	vor.u32 v12, v14;
	v29 =	vld.idx.msk [tilespmem:v16+s18+$0x0], $0xffff  }
0xb2: {  	v31 =	vld.idx.msk [tilespmem:v16+s20+$0x0], $0xffff  }
0xb3: {  	v33 =	vmul.f32 v15, v21;
	v15 =	vld.idx.msk [tilespmem:v28+s18+$0x0], $0xffff  }
0xb4: {  	v22 =	vor.u32 v6, v27;
	v18 =	vld.idx.msk [tilespmem:v19+s18+$0x0], $0xffff  }
0xb5: {  	v20 =	vld.idx.msk [tilespmem:v19+s20+$0x0], $0xffff  }
0xb6: {  	v32 =	vimm.f32 $0.0e+00;
	v23 =	vor.u32 v7, v27;
	v13 =	vmul.f32 v13, v17;
	v16 =	vld.idx.msk [tilespmem:v14+s18+$0x0], $0xffff  }
0xb7: {  	v21 =	vor.u32 v8, v27;
	v17 =	vand.u32 $0xF, v27;
	v25 =	vmul.f32 v25, v24;
	v19 =	vld.idx.msk [tilespmem:v14+s20+$0x0], $0xffff  }
0xb8: {  	v14 =	vld.idx.msk [tilespmem:v28+s20+$0x0], $0xffff;
	v28 =	vadd.f32 v33, v32;
	v29 =	vmul.f32 v31, v29;
	v27 =	vadd.f32 v13, v32  }
0xb9: {  	s6 =	simm.s32 $0x2;
	v26 =	vmul.f32 v30, v26;
	v24 =	vor.u32 v4, v17;
	v13 =	vld.idx.msk [tilespmem:v22+s18+$0x0], $0xffff  }
.LBB2_7:
0xba: {  	p0 =	sne.s32 s6, $0xF;
	v30 =	vld.idx.msk [tilespmem:v22+s20+$0x0], $0xffff;
	v22 =	vadd.f32 v29, v28;
	v25 =	vadd.f32 v25, v27;
	v18 =	vmul.f32 v20, v18  }
0xbb: {  	v20 =	vor.u32 v10, v17;
	v9 =	vmul.f32 v9, v3;
	v27 =	vld.idx.msk [tilespmem:v23+s18+$0x0], $0xffff  }
0xbc: {  	v16 =	vmul.f32 v19, v16;
	v28 =	vld.idx.msk [tilespmem:v23+s20+$0x0], $0xffff;
	v18 =	vadd.f32 v18, v22;
	v22 =	vadd.f32 v26, v25  }
0xbd: {  	v3 =	vmov v15;
	v19 =	vld.idx.msk [tilespmem:v21+s18+$0x0], $0xffff  }
0xbe: {  	v15 =	vld.idx.msk [tilespmem:v21+s20+$0x0], $0xffff;
	v21 =	vor.u32 v11, v17;
	v26 =	vadd.f32 v16, v18;
	v29 =	vadd.f32 v9, v22  }
0xbf: {  	v9 =	vmov v14;
	v25 =	vld.idx.msk [tilespmem:v24+s18+$0x0], $0xffff  }
0xc0: {  	v17 =	vor.u32 v12, v17;
	v14 =	vld.idx.msk [tilespmem:v24+s20+$0x0], $0xffff  }
0xc1: {  	v24 =	vadd.s32 s6, v0;
	v31 =	vld.idx.msk [tilespmem:v20+s18+$0x0], $0xffff  }
0xc2: {  	v32 =	vor.u32 v5, v24;
	v33 =	vld.idx.msk [tilespmem:v20+s20+$0x0], $0xffff  }
0xc3: {  	v18 =	vld.idx.msk [tilespmem:v21+s18+$0x0], $0xffff  }
0xc4: {  	v22 =	vor.u32 v6, v24;
	v20 =	vld.idx.msk [tilespmem:v21+s20+$0x0], $0xffff  }
.Ltmp2:
0xc5: {  	v16 =	vld.idx.msk [tilespmem:v17+s18+$0x0], $0xffff;
	(pc) =	sbr.rel @p0 .LBB2_7-.Ltmp2, $4  }
0xc6: {  	v23 =	vor.u32 v7, v24;
	v35 =	vmul.f32 v15, v19;
	v34 =	vmul.f32 v14, v25;
	v19 =	vld.idx.msk [tilespmem:v17+s20+$0x0], $0xffff  }
0xc7: {  	v21 =	vor.u32 v8, v24;
	v25 =	vmul.f32 v28, v27;
	v17 =	vand.u32 $0xF, v24;
	v15 =	vld.idx.msk [tilespmem:v32+s18+$0x0], $0xffff  }
0xc8: {  	v27 =	vadd.f32 v35, v29;
	v28 =	vadd.f32 v34, v26;
	v29 =	vmul.f32 v33, v31;
	v14 =	vld.idx.msk [tilespmem:v32+s20+$0x0], $0xffff  }
0xc9: {  	s6 =	sadd.s32 $0x1, s6;
	v24 =	vor.u32 v4, v17;
	v26 =	vmul.f32 v30, v13;
	v13 =	vld.idx.msk [tilespmem:v22+s18+$0x0], $0xffff  }
0xca: {  	_ =	sdelay $0x3  }
0xcb: {  	v4 =	vld.idx.msk [tilespmem:v22+s20+$0x0], $0xffff  }
0xcc: {  	v5 =	vld.idx.msk [tilespmem:v23+s18+$0x0], $0xffff  }
0xcd: {  	v6 =	vor.u32 v10, v17;
	v7 =	vld.idx.msk [tilespmem:v23+s20+$0x0], $0xffff  }
0xce: {  	v8 =	vld.idx.msk [tilespmem:v21+s18+$0x0], $0xffff  }
0xcf: {  	v46 =	vld.idx.msk [tilespmem:v21+s20+$0x0], $0xffff;
	v11 =	vor.u32 v11, v17  }
0xd0: {  	v47 =	vld.idx.msk [tilespmem:v24+s18+$0x0], $0xffff  }
0xd1: {  	v48 =	vadd.f32 v29, v28;
	v18 =	vmul.f32 v20, v18;
	v12 =	vor.u32 v12, v17;
	v49 =	vld.idx.msk [tilespmem:v24+s20+$0x0], $0xffff  }
0xd2: {  	v50 =	vadd.f32 v25, v27;
	v51 =	vld.idx.msk [tilespmem:v6+s18+$0x0], $0xffff  }
0xd3: {  	v16 =	vmul.f32 v19, v16;
	v18 =	vadd.f32 v18, v48;
	v6 =	vld.idx.msk [tilespmem:v6+s20+$0x0], $0xffff  }
0xd4: {  	v3 =	vmul.f32 v9, v3;
	v52 =	vadd.f32 v26, v50;
	v53 =	vld.idx.msk [tilespmem:v11+s18+$0x0], $0xffff  }
0xd5: {  	v16 =	vadd.f32 v16, v18;
	v11 =	vld.idx.msk [tilespmem:v11+s20+$0x0], $0xffff  }
0xd6: {  	v3 =	vadd.f32 v3, v52;
	v54 =	vld.idx.msk [tilespmem:v12+s18+$0x0], $0xffff;
	v17 =	vmul.f32 v49, v47;
	v8 =	vmul.f32 v46, v8  }
0xd7: {  	v55 =	vld.idx.msk [tilespmem:v12+s20+$0x0], $0xffff;
	v5 =	vmul.f32 v7, v5  }
0xd8: {  	v56 =	vadd.f32 v17, v16;
	v3 =	vadd.f32 v8, v3;
	v6 =	vmul.f32 v6, v51  }
0xd9: {  	v4 =	vmul.f32 v4, v13  }
0xda: {  	v3 =	vadd.f32 v5, v3;
	v57 =	vmul.f32 v11, v53;
	v6 =	vadd.f32 v6, v56  }
0xdb: {  	v58 =	vmul.f32 v14, v15  }
0xdc: {  	v59 =	vmul.f32 v55, v54;
	v3 =	vadd.f32 v4, v3;
	v5 =	vadd.f32 v57, v6  }
0xdd: {  	v60 =	vld [tilespmem:s4+$0x10840]  }
0xde: {  	v3 =	vadd.f32 v58, v3;
	v4 =	vadd.f32 v59, v5  }
0xdf: {  	v61 =	vld [tilespmem:s4+$0x10A40]  }
0xe0: {  	v3 =	vadd.f32 v3, v4  }
0xe1: {  	v62 =	vld [tilespmem:s4+$0x440]  }
0xe2: {  	v3 =	vadd.f32 v60, v3  }
0xe3: {  	v63 =	vld [tilespmem:s4+$0x640]  }
0xe4: {  	v3 =	vadd.f32 v61, v3;
	_ =	sdelay $0x1  }
0xe5: {  	s3 =	sadd.s32 $0x1, s3;
	v3 =	vsub.f32 v3, v62  }
0xe6: {  	p0 =	sne.s32 s3, $0x4  }
.Ltmp3:
0xe7: {  	v4 =	vmul.f32 v3, v63;
	(pc) =	sbr.rel @p0 .LBB2_6-.Ltmp3, $3  }
0xe8: {  	_ = 	snop  }
0xe9: {  	v3 =	vmul.f32 v4, v3;
	_ =	sdelay $0x1  }
0xea: {  	v2 =	vadd.f32 v3, v2  }
0xeb: {  	s3 =	simm.s32 $0x140  }
0xec: {  	[tilespmem:s18], [sflag:$0x2] =	stream.indirect.gather [hbm4b:s1+s15], $0x80, s3, s15, $0xb8;
	[tilespmem:$0x10C80] =	vst v63  }
0xed: {  	s6 =	simm.s32 $0x340  }
0xee: {  	[tilespmem:s20], [sflag:$0x2] =	stream.indirect.gather [hbm4b:s2+s15], $0x80, s6, s15, $0xb8;
	[tilespmem:$0x10C80] =	vst v63  }
0xef: {  	_ =	swait.ge [sflag:s0], $0x2000  }
0xf0: {  	[sflag:s0] =	ssyncset.done $0x0  }
0xf1: {  	[sflag:s0] =	ssyncadd.s32 $0xFFFFE000  }
0xf2: {  	_ =	swait.ge [sflag:s0], $0x2000  }
0xf3: {  	[sflag:s0] =	ssyncset.done $0x0  }
0xf4: {  	s31 =	simm.s32 $0x0;
	s3 =	simm.s32 $0x0;
	[sflag:s0] =	ssyncadd.s32 $0xFFFFE000  }
.LBB2_10:
0xf5: {  	s4 =	sshll.u32 s3, $0x4  }
0xf6: {  	v3 =	vmov s4  }
0xf7: {  	v10 =	vadd.s32 s31, v0;
	v3 =	vshll.u32 v3, $0x7  }
0xf8: {  	v14 =	vand.u32 $0xF, v10;
	v4 =	vor.u32 v1, v3  }
0xf9: {  	v15 =	vor.u32 v4, v14  }
0xfa: {  	v5 =	vor.u32 $0x70, v4  }
0xfb: {  	v9 =	vor.u32 v5, v10  }
0xfc: {  	v6 =	vor.u32 $0x50, v4  }
0xfd: {  	v11 =	vor.u32 v6, v10  }
0xfe: {  	v7 =	vor.u32 $0x30, v4;
	v21 =	vld.idx.msk [tilespmem:v15+s22+$0x0], $0xffff  }
0xff: {  	v12 =	vor.u32 v7, v10;
	v15 =	vld.idx.msk [tilespmem:v15+s24+$0x0], $0xffff  }
0x100: {  	v8 =	vor.u32 $0x10, v4;
	v3 =	vld.idx.msk [tilespmem:v9+s22+$0x0], $0xffff  }
0x101: {  	v13 =	vor.u32 v8, v10;
	v9 =	vld.idx.msk [tilespmem:v9+s24+$0x0], $0xffff  }
0x102: {  	v10 =	vor.u32 $0x20, v4;
	v26 =	vld.idx.msk [tilespmem:v11+s22+$0x0], $0xffff  }
0x103: {  	s6 =	simm.s32 $0x1;
	v16 =	vor.u32 v10, v14;
	v30 =	vld.idx.msk [tilespmem:v11+s24+$0x0], $0xffff  }
0x104: {  	v27 =	vadd.s32 s6, v0;
	v24 =	vld.idx.msk [tilespmem:v12+s22+$0x0], $0xffff  }
0x105: {  	v28 =	vor.u32 v5, v27;
	v25 =	vld.idx.msk [tilespmem:v12+s24+$0x0], $0xffff;
	v11 =	vor.u32 $0x40, v4  }
0x106: {  	v17 =	vld.idx.msk [tilespmem:v13+s22+$0x0], $0xffff;
	v19 =	vor.u32 v11, v14  }
0x107: {  	v13 =	vld.idx.msk [tilespmem:v13+s24+$0x0], $0xffff;
	v12 =	vor.u32 $0x60, v4  }
0x108: {  	v14 =	vor.u32 v12, v14;
	v29 =	vld.idx.msk [tilespmem:v16+s22+$0x0], $0xffff  }
0x109: {  	v31 =	vld.idx.msk [tilespmem:v16+s24+$0x0], $0xffff  }
0x10a: {  	v33 =	vmul.f32 v15, v21;
	v15 =	vld.idx.msk [tilespmem:v28+s22+$0x0], $0xffff  }
0x10b: {  	v22 =	vor.u32 v6, v27;
	v18 =	vld.idx.msk [tilespmem:v19+s22+$0x0], $0xffff  }
0x10c: {  	v20 =	vld.idx.msk [tilespmem:v19+s24+$0x0], $0xffff  }
0x10d: {  	v32 =	vimm.f32 $0.0e+00;
	v23 =	vor.u32 v7, v27;
	v13 =	vmul.f32 v13, v17;
	v16 =	vld.idx.msk [tilespmem:v14+s22+$0x0], $0xffff  }
0x10e: {  	v21 =	vor.u32 v8, v27;
	v17 =	vand.u32 $0xF, v27;
	v25 =	vmul.f32 v25, v24;
	v19 =	vld.idx.msk [tilespmem:v14+s24+$0x0], $0xffff  }
0x10f: {  	v14 =	vld.idx.msk [tilespmem:v28+s24+$0x0], $0xffff;
	v28 =	vadd.f32 v33, v32;
	v29 =	vmul.f32 v31, v29;
	v27 =	vadd.f32 v13, v32  }
0x110: {  	s6 =	simm.s32 $0x2;
	v26 =	vmul.f32 v30, v26;
	v24 =	vor.u32 v4, v17;
	v13 =	vld.idx.msk [tilespmem:v22+s22+$0x0], $0xffff  }
.LBB2_11:
0x111: {  	p0 =	sne.s32 s6, $0xF;
	v30 =	vld.idx.msk [tilespmem:v22+s24+$0x0], $0xffff;
	v22 =	vadd.f32 v29, v28;
	v25 =	vadd.f32 v25, v27;
	v18 =	vmul.f32 v20, v18  }
0x112: {  	v20 =	vor.u32 v10, v17;
	v9 =	vmul.f32 v9, v3;
	v27 =	vld.idx.msk [tilespmem:v23+s22+$0x0], $0xffff  }
0x113: {  	v16 =	vmul.f32 v19, v16;
	v28 =	vld.idx.msk [tilespmem:v23+s24+$0x0], $0xffff;
	v18 =	vadd.f32 v18, v22;
	v22 =	vadd.f32 v26, v25  }
0x114: {  	v3 =	vmov v15;
	v19 =	vld.idx.msk [tilespmem:v21+s22+$0x0], $0xffff  }
0x115: {  	v15 =	vld.idx.msk [tilespmem:v21+s24+$0x0], $0xffff;
	v21 =	vor.u32 v11, v17;
	v26 =	vadd.f32 v16, v18;
	v29 =	vadd.f32 v9, v22  }
0x116: {  	v9 =	vmov v14;
	v25 =	vld.idx.msk [tilespmem:v24+s22+$0x0], $0xffff  }
0x117: {  	v17 =	vor.u32 v12, v17;
	v14 =	vld.idx.msk [tilespmem:v24+s24+$0x0], $0xffff  }
0x118: {  	v24 =	vadd.s32 s6, v0;
	v31 =	vld.idx.msk [tilespmem:v20+s22+$0x0], $0xffff  }
0x119: {  	v32 =	vor.u32 v5, v24;
	v33 =	vld.idx.msk [tilespmem:v20+s24+$0x0], $0xffff  }
0x11a: {  	v18 =	vld.idx.msk [tilespmem:v21+s22+$0x0], $0xffff  }
0x11b: {  	v22 =	vor.u32 v6, v24;
	v20 =	vld.idx.msk [tilespmem:v21+s24+$0x0], $0xffff  }
.Ltmp4:
0x11c: {  	v16 =	vld.idx.msk [tilespmem:v17+s22+$0x0], $0xffff;
	(pc) =	sbr.rel @p0 .LBB2_11-.Ltmp4, $4  }
0x11d: {  	v23 =	vor.u32 v7, v24;
	v35 =	vmul.f32 v15, v19;
	v34 =	vmul.f32 v14, v25;
	v19 =	vld.idx.msk [tilespmem:v17+s24+$0x0], $0xffff  }
0x11e: {  	v21 =	vor.u32 v8, v24;
	v25 =	vmul.f32 v28, v27;
	v17 =	vand.u32 $0xF, v24;
	v15 =	vld.idx.msk [tilespmem:v32+s22+$0x0], $0xffff  }
0x11f: {  	v27 =	vadd.f32 v35, v29;
	v28 =	vadd.f32 v34, v26;
	v29 =	vmul.f32 v33, v31;
	v14 =	vld.idx.msk [tilespmem:v32+s24+$0x0], $0xffff  }
0x120: {  	s6 =	sadd.s32 $0x1, s6;
	v24 =	vor.u32 v4, v17;
	v26 =	vmul.f32 v30, v13;
	v13 =	vld.idx.msk [tilespmem:v22+s22+$0x0], $0xffff  }
0x121: {  	_ =	sdelay $0x3  }
0x122: {  	v4 =	vld.idx.msk [tilespmem:v22+s24+$0x0], $0xffff  }
0x123: {  	v5 =	vld.idx.msk [tilespmem:v23+s22+$0x0], $0xffff  }
0x124: {  	v6 =	vor.u32 v10, v17;
	v7 =	vld.idx.msk [tilespmem:v23+s24+$0x0], $0xffff  }
0x125: {  	v8 =	vld.idx.msk [tilespmem:v21+s22+$0x0], $0xffff  }
0x126: {  	v46 =	vld.idx.msk [tilespmem:v21+s24+$0x0], $0xffff;
	v11 =	vor.u32 v11, v17  }
0x127: {  	v47 =	vld.idx.msk [tilespmem:v24+s22+$0x0], $0xffff  }
0x128: {  	v48 =	vadd.f32 v29, v28;
	v18 =	vmul.f32 v20, v18;
	v12 =	vor.u32 v12, v17;
	v49 =	vld.idx.msk [tilespmem:v24+s24+$0x0], $0xffff  }
0x129: {  	v50 =	vadd.f32 v25, v27;
	v51 =	vld.idx.msk [tilespmem:v6+s22+$0x0], $0xffff  }
0x12a: {  	v16 =	vmul.f32 v19, v16;
	v18 =	vadd.f32 v18, v48;
	v6 =	vld.idx.msk [tilespmem:v6+s24+$0x0], $0xffff  }
0x12b: {  	v3 =	vmul.f32 v9, v3;
	v52 =	vadd.f32 v26, v50;
	v53 =	vld.idx.msk [tilespmem:v11+s22+$0x0], $0xffff  }
0x12c: {  	v16 =	vadd.f32 v16, v18;
	v11 =	vld.idx.msk [tilespmem:v11+s24+$0x0], $0xffff  }
0x12d: {  	v3 =	vadd.f32 v3, v52;
	v54 =	vld.idx.msk [tilespmem:v12+s22+$0x0], $0xffff;
	v17 =	vmul.f32 v49, v47;
	v8 =	vmul.f32 v46, v8  }
0x12e: {  	v55 =	vld.idx.msk [tilespmem:v12+s24+$0x0], $0xffff;
	v5 =	vmul.f32 v7, v5  }
0x12f: {  	v56 =	vadd.f32 v17, v16;
	v3 =	vadd.f32 v8, v3;
	v6 =	vmul.f32 v6, v51  }
0x130: {  	v4 =	vmul.f32 v4, v13  }
0x131: {  	v3 =	vadd.f32 v5, v3;
	v57 =	vmul.f32 v11, v53;
	v6 =	vadd.f32 v6, v56  }
0x132: {  	v58 =	vmul.f32 v14, v15  }
0x133: {  	v59 =	vmul.f32 v55, v54;
	v3 =	vadd.f32 v4, v3;
	v5 =	vadd.f32 v57, v6  }
0x134: {  	v60 =	vld [tilespmem:s4+$0x10880]  }
0x135: {  	v3 =	vadd.f32 v58, v3;
	v4 =	vadd.f32 v59, v5  }
0x136: {  	v61 =	vld [tilespmem:s4+$0x10A80]  }
0x137: {  	v3 =	vadd.f32 v3, v4  }
0x138: {  	v62 =	vld [tilespmem:s4+$0x480]  }
0x139: {  	v3 =	vadd.f32 v60, v3  }
0x13a: {  	v63 =	vld [tilespmem:s4+$0x680]  }
0x13b: {  	v3 =	vadd.f32 v61, v3;
	_ =	sdelay $0x1  }
0x13c: {  	s3 =	sadd.s32 $0x1, s3;
	v3 =	vsub.f32 v3, v62  }
0x13d: {  	p0 =	sne.s32 s3, $0x4  }
.Ltmp5:
0x13e: {  	v4 =	vmul.f32 v3, v63;
	(pc) =	sbr.rel @p0 .LBB2_10-.Ltmp5, $3  }
0x13f: {  	_ = 	snop  }
0x140: {  	v3 =	vmul.f32 v4, v3;
	_ =	sdelay $0x1  }
0x141: {  	v2 =	vadd.f32 v3, v2  }
0x142: {  	s3 =	simm.s32 $0x180  }
0x143: {  	[tilespmem:s22], [sflag:$0x3] =	stream.indirect.gather [hbm4b:s1+s15], $0x80, s3, s15, $0xb8;
	[tilespmem:$0x10C80] =	vst v63  }
0x144: {  	s6 =	simm.s32 $0x380  }
0x145: {  	[tilespmem:s24], [sflag:$0x3] =	stream.indirect.gather [hbm4b:s2+s15], $0x80, s6, s15, $0xb8;
	[tilespmem:$0x10C80] =	vst v63  }
0x146: {  	_ =	swait.ge [sflag:s25], $0x2000  }
0x147: {  	[sflag:s25] =	ssyncset.done $0x0  }
0x148: {  	[sflag:s25] =	ssyncadd.s32 $0xFFFFE000  }
0x149: {  	_ =	swait.ge [sflag:s25], $0x2000  }
0x14a: {  	[sflag:s25] =	ssyncset.done $0x0  }
0x14b: {  	s31 =	simm.s32 $0x0;
	s3 =	simm.s32 $0x0;
	[sflag:s25] =	ssyncadd.s32 $0xFFFFE000  }
.LBB2_14:
0x14c: {  	s4 =	sshll.u32 s3, $0x4  }
0x14d: {  	v3 =	vmov s4  }
0x14e: {  	v10 =	vadd.s32 s31, v0;
	v3 =	vshll.u32 v3, $0x7  }
0x14f: {  	v14 =	vand.u32 $0xF, v10;
	v4 =	vor.u32 v1, v3  }
0x150: {  	v15 =	vor.u32 v4, v14  }
0x151: {  	v5 =	vor.u32 $0x70, v4  }
0x152: {  	v9 =	vor.u32 v5, v10  }
0x153: {  	v6 =	vor.u32 $0x50, v4  }
0x154: {  	v11 =	vor.u32 v6, v10  }
0x155: {  	v7 =	vor.u32 $0x30, v4;
	v21 =	vld.idx.msk [tilespmem:v15+s26+$0x0], $0xffff  }
0x156: {  	v12 =	vor.u32 v7, v10;
	v15 =	vld.idx.msk [tilespmem:v15+s29+$0x0], $0xffff  }
0x157: {  	v8 =	vor.u32 $0x10, v4;
	v3 =	vld.idx.msk [tilespmem:v9+s26+$0x0], $0xffff  }
0x158: {  	v13 =	vor.u32 v8, v10;
	v9 =	vld.idx.msk [tilespmem:v9+s29+$0x0], $0xffff  }
0x159: {  	v10 =	vor.u32 $0x20, v4;
	v26 =	vld.idx.msk [tilespmem:v11+s26+$0x0], $0xffff  }
0x15a: {  	s6 =	simm.s32 $0x1;
	v16 =	vor.u32 v10, v14;
	v30 =	vld.idx.msk [tilespmem:v11+s29+$0x0], $0xffff  }
0x15b: {  	v27 =	vadd.s32 s6, v0;
	v24 =	vld.idx.msk [tilespmem:v12+s26+$0x0], $0xffff  }
0x15c: {  	v28 =	vor.u32 v5, v27;
	v25 =	vld.idx.msk [tilespmem:v12+s29+$0x0], $0xffff;
	v11 =	vor.u32 $0x40, v4  }
0x15d: {  	v17 =	vld.idx.msk [tilespmem:v13+s26+$0x0], $0xffff;
	v19 =	vor.u32 v11, v14  }
0x15e: {  	v13 =	vld.idx.msk [tilespmem:v13+s29+$0x0], $0xffff;
	v12 =	vor.u32 $0x60, v4  }
0x15f: {  	v14 =	vor.u32 v12, v14;
	v29 =	vld.idx.msk [tilespmem:v16+s26+$0x0], $0xffff  }
0x160: {  	v31 =	vld.idx.msk [tilespmem:v16+s29+$0x0], $0xffff  }
0x161: {  	v33 =	vmul.f32 v15, v21;
	v15 =	vld.idx.msk [tilespmem:v28+s26+$0x0], $0xffff  }
0x162: {  	v22 =	vor.u32 v6, v27;
	v18 =	vld.idx.msk [tilespmem:v19+s26+$0x0], $0xffff  }
0x163: {  	v20 =	vld.idx.msk [tilespmem:v19+s29+$0x0], $0xffff  }
0x164: {  	v32 =	vimm.f32 $0.0e+00;
	v23 =	vor.u32 v7, v27;
	v13 =	vmul.f32 v13, v17;
	v16 =	vld.idx.msk [tilespmem:v14+s26+$0x0], $0xffff  }
0x165: {  	v21 =	vor.u32 v8, v27;
	v17 =	vand.u32 $0xF, v27;
	v25 =	vmul.f32 v25, v24;
	v19 =	vld.idx.msk [tilespmem:v14+s29+$0x0], $0xffff  }
0x166: {  	v14 =	vld.idx.msk [tilespmem:v28+s29+$0x0], $0xffff;
	v28 =	vadd.f32 v33, v32;
	v29 =	vmul.f32 v31, v29;
	v27 =	vadd.f32 v13, v32  }
0x167: {  	s6 =	simm.s32 $0x2;
	v26 =	vmul.f32 v30, v26;
	v24 =	vor.u32 v4, v17;
	v13 =	vld.idx.msk [tilespmem:v22+s26+$0x0], $0xffff  }
.LBB2_15:
0x168: {  	p0 =	sne.s32 s6, $0xF;
	v30 =	vld.idx.msk [tilespmem:v22+s29+$0x0], $0xffff;
	v22 =	vadd.f32 v29, v28;
	v25 =	vadd.f32 v25, v27;
	v18 =	vmul.f32 v20, v18  }
0x169: {  	v20 =	vor.u32 v10, v17;
	v9 =	vmul.f32 v9, v3;
	v27 =	vld.idx.msk [tilespmem:v23+s26+$0x0], $0xffff  }
0x16a: {  	v16 =	vmul.f32 v19, v16;
	v28 =	vld.idx.msk [tilespmem:v23+s29+$0x0], $0xffff;
	v18 =	vadd.f32 v18, v22;
	v22 =	vadd.f32 v26, v25  }
0x16b: {  	v3 =	vmov v15;
	v19 =	vld.idx.msk [tilespmem:v21+s26+$0x0], $0xffff  }
0x16c: {  	v15 =	vld.idx.msk [tilespmem:v21+s29+$0x0], $0xffff;
	v21 =	vor.u32 v11, v17;
	v26 =	vadd.f32 v16, v18;
	v29 =	vadd.f32 v9, v22  }
0x16d: {  	v9 =	vmov v14;
	v25 =	vld.idx.msk [tilespmem:v24+s26+$0x0], $0xffff  }
0x16e: {  	v17 =	vor.u32 v12, v17;
	v14 =	vld.idx.msk [tilespmem:v24+s29+$0x0], $0xffff  }
0x16f: {  	v24 =	vadd.s32 s6, v0;
	v31 =	vld.idx.msk [tilespmem:v20+s26+$0x0], $0xffff  }
0x170: {  	v32 =	vor.u32 v5, v24;
	v33 =	vld.idx.msk [tilespmem:v20+s29+$0x0], $0xffff  }
0x171: {  	v18 =	vld.idx.msk [tilespmem:v21+s26+$0x0], $0xffff  }
0x172: {  	v22 =	vor.u32 v6, v24;
	v20 =	vld.idx.msk [tilespmem:v21+s29+$0x0], $0xffff  }
.Ltmp6:
0x173: {  	v16 =	vld.idx.msk [tilespmem:v17+s26+$0x0], $0xffff;
	(pc) =	sbr.rel @p0 .LBB2_15-.Ltmp6, $4  }
0x174: {  	v23 =	vor.u32 v7, v24;
	v35 =	vmul.f32 v15, v19;
	v34 =	vmul.f32 v14, v25;
	v19 =	vld.idx.msk [tilespmem:v17+s29+$0x0], $0xffff  }
0x175: {  	v21 =	vor.u32 v8, v24;
	v25 =	vmul.f32 v28, v27;
	v17 =	vand.u32 $0xF, v24;
	v15 =	vld.idx.msk [tilespmem:v32+s26+$0x0], $0xffff  }
0x176: {  	v27 =	vadd.f32 v35, v29;
	v28 =	vadd.f32 v34, v26;
	v29 =	vmul.f32 v33, v31;
	v14 =	vld.idx.msk [tilespmem:v32+s29+$0x0], $0xffff  }
0x177: {  	s6 =	sadd.s32 $0x1, s6;
	v24 =	vor.u32 v4, v17;
	v26 =	vmul.f32 v30, v13;
	v13 =	vld.idx.msk [tilespmem:v22+s26+$0x0], $0xffff  }
0x178: {  	_ =	sdelay $0x3  }
0x179: {  	v4 =	vld.idx.msk [tilespmem:v22+s29+$0x0], $0xffff  }
0x17a: {  	v5 =	vld.idx.msk [tilespmem:v23+s26+$0x0], $0xffff  }
0x17b: {  	v6 =	vor.u32 v10, v17;
	v7 =	vld.idx.msk [tilespmem:v23+s29+$0x0], $0xffff  }
0x17c: {  	v8 =	vld.idx.msk [tilespmem:v21+s26+$0x0], $0xffff  }
0x17d: {  	v46 =	vld.idx.msk [tilespmem:v21+s29+$0x0], $0xffff;
	v11 =	vor.u32 v11, v17  }
0x17e: {  	v47 =	vld.idx.msk [tilespmem:v24+s26+$0x0], $0xffff  }
0x17f: {  	v48 =	vadd.f32 v29, v28;
	v18 =	vmul.f32 v20, v18;
	v12 =	vor.u32 v12, v17;
	v49 =	vld.idx.msk [tilespmem:v24+s29+$0x0], $0xffff  }
0x180: {  	v50 =	vadd.f32 v25, v27;
	v51 =	vld.idx.msk [tilespmem:v6+s26+$0x0], $0xffff  }
0x181: {  	v16 =	vmul.f32 v19, v16;
	v18 =	vadd.f32 v18, v48;
	v6 =	vld.idx.msk [tilespmem:v6+s29+$0x0], $0xffff  }
0x182: {  	v3 =	vmul.f32 v9, v3;
	v52 =	vadd.f32 v26, v50;
	v53 =	vld.idx.msk [tilespmem:v11+s26+$0x0], $0xffff  }
0x183: {  	v16 =	vadd.f32 v16, v18;
	v11 =	vld.idx.msk [tilespmem:v11+s29+$0x0], $0xffff  }
0x184: {  	v3 =	vadd.f32 v3, v52;
	v54 =	vld.idx.msk [tilespmem:v12+s26+$0x0], $0xffff;
	v17 =	vmul.f32 v49, v47;
	v8 =	vmul.f32 v46, v8  }
0x185: {  	v55 =	vld.idx.msk [tilespmem:v12+s29+$0x0], $0xffff;
	v5 =	vmul.f32 v7, v5  }
0x186: {  	v56 =	vadd.f32 v17, v16;
	v3 =	vadd.f32 v8, v3;
	v6 =	vmul.f32 v6, v51  }
0x187: {  	v4 =	vmul.f32 v4, v13  }
0x188: {  	v3 =	vadd.f32 v5, v3;
	v57 =	vmul.f32 v11, v53;
	v6 =	vadd.f32 v6, v56  }
0x189: {  	v58 =	vmul.f32 v14, v15  }
0x18a: {  	v59 =	vmul.f32 v55, v54;
	v3 =	vadd.f32 v4, v3;
	v5 =	vadd.f32 v57, v6  }
0x18b: {  	v60 =	vld [tilespmem:s4+$0x108C0]  }
0x18c: {  	v3 =	vadd.f32 v58, v3;
	v4 =	vadd.f32 v59, v5  }
0x18d: {  	v61 =	vld [tilespmem:s4+$0x10AC0]  }
0x18e: {  	v3 =	vadd.f32 v3, v4  }
0x18f: {  	v62 =	vld [tilespmem:s4+$0x4C0]  }
0x190: {  	v3 =	vadd.f32 v60, v3  }
0x191: {  	v63 =	vld [tilespmem:s4+$0x6C0]  }
0x192: {  	v3 =	vadd.f32 v61, v3;
	_ =	sdelay $0x1  }
0x193: {  	s3 =	sadd.s32 $0x1, s3;
	v3 =	vsub.f32 v3, v62  }
0x194: {  	p0 =	sne.s32 s3, $0x4  }
.Ltmp7:
0x195: {  	v4 =	vmul.f32 v3, v63;
	(pc) =	sbr.rel @p0 .LBB2_14-.Ltmp7, $3  }
0x196: {  	_ = 	snop  }
0x197: {  	v3 =	vmul.f32 v4, v3;
	_ =	sdelay $0x1  }
0x198: {  	v2 =	vadd.f32 v3, v2  }
0x199: {  	s3 =	simm.s32 $0x1C0  }
0x19a: {  	[tilespmem:s26], [sflag:$0x4] =	stream.indirect.gather [hbm4b:s1+s15], $0x80, s3, s15, $0xb8;
	[tilespmem:$0x10C80] =	vst v63  }
0x19b: {  	s6 =	simm.s32 $0x3C0  }
0x19c: {  	[tilespmem:s29], [sflag:$0x4] =	stream.indirect.gather [hbm4b:s2+s15], $0x80, s6, s15, $0xb8;
	[tilespmem:$0x10C80] =	vst v63  }
0x19d: {  	_ =	swait.ge [sflag:s21], $0x2000  }
0x19e: {  	[sflag:s21] =	ssyncset.done $0x0  }
0x19f: {  	[sflag:s21] =	ssyncadd.s32 $0xFFFFE000  }
0x1a0: {  	_ =	swait.ge [sflag:s21], $0x2000  }
0x1a1: {  	[sflag:s21] =	ssyncset.done $0x0  }
0x1a2: {  	s31 =	simm.s32 $0x0;
	s3 =	simm.s32 $0x0;
	[sflag:s21] =	ssyncadd.s32 $0xFFFFE000  }
.LBB2_18:
0x1a3: {  	s4 =	sshll.u32 s3, $0x4  }
0x1a4: {  	v3 =	vmov s4  }
0x1a5: {  	v10 =	vadd.s32 s31, v0;
	v3 =	vshll.u32 v3, $0x7  }
0x1a6: {  	v14 =	vand.u32 $0xF, v10;
	v4 =	vor.u32 v1, v3  }
0x1a7: {  	v15 =	vor.u32 v4, v14  }
0x1a8: {  	v5 =	vor.u32 $0x70, v4  }
0x1a9: {  	v9 =	vor.u32 v5, v10  }
0x1aa: {  	v6 =	vor.u32 $0x50, v4  }
0x1ab: {  	v11 =	vor.u32 v6, v10  }
0x1ac: {  	v7 =	vor.u32 $0x30, v4;
	v21 =	vld.idx.msk [tilespmem:v15+s16+$0x0], $0xffff  }
0x1ad: {  	v12 =	vor.u32 v7, v10;
	v15 =	vld.idx.msk [tilespmem:v15+s17+$0x0], $0xffff  }
0x1ae: {  	v8 =	vor.u32 $0x10, v4;
	v3 =	vld.idx.msk [tilespmem:v9+s16+$0x0], $0xffff  }
0x1af: {  	v13 =	vor.u32 v8, v10;
	v9 =	vld.idx.msk [tilespmem:v9+s17+$0x0], $0xffff  }
0x1b0: {  	v10 =	vor.u32 $0x20, v4;
	v26 =	vld.idx.msk [tilespmem:v11+s16+$0x0], $0xffff  }
0x1b1: {  	s6 =	simm.s32 $0x1;
	v16 =	vor.u32 v10, v14;
	v30 =	vld.idx.msk [tilespmem:v11+s17+$0x0], $0xffff  }
0x1b2: {  	v27 =	vadd.s32 s6, v0;
	v24 =	vld.idx.msk [tilespmem:v12+s16+$0x0], $0xffff  }
0x1b3: {  	v28 =	vor.u32 v5, v27;
	v25 =	vld.idx.msk [tilespmem:v12+s17+$0x0], $0xffff;
	v11 =	vor.u32 $0x40, v4  }
0x1b4: {  	v17 =	vld.idx.msk [tilespmem:v13+s16+$0x0], $0xffff;
	v19 =	vor.u32 v11, v14  }
0x1b5: {  	v13 =	vld.idx.msk [tilespmem:v13+s17+$0x0], $0xffff;
	v12 =	vor.u32 $0x60, v4  }
0x1b6: {  	v14 =	vor.u32 v12, v14;
	v29 =	vld.idx.msk [tilespmem:v16+s16+$0x0], $0xffff  }
0x1b7: {  	v31 =	vld.idx.msk [tilespmem:v16+s17+$0x0], $0xffff  }
0x1b8: {  	v33 =	vmul.f32 v15, v21;
	v15 =	vld.idx.msk [tilespmem:v28+s16+$0x0], $0xffff  }
0x1b9: {  	v22 =	vor.u32 v6, v27;
	v18 =	vld.idx.msk [tilespmem:v19+s16+$0x0], $0xffff  }
0x1ba: {  	v20 =	vld.idx.msk [tilespmem:v19+s17+$0x0], $0xffff  }
0x1bb: {  	v32 =	vimm.f32 $0.0e+00;
	v23 =	vor.u32 v7, v27;
	v13 =	vmul.f32 v13, v17;
	v16 =	vld.idx.msk [tilespmem:v14+s16+$0x0], $0xffff  }
0x1bc: {  	v21 =	vor.u32 v8, v27;
	v17 =	vand.u32 $0xF, v27;
	v25 =	vmul.f32 v25, v24;
	v19 =	vld.idx.msk [tilespmem:v14+s17+$0x0], $0xffff  }
0x1bd: {  	v14 =	vld.idx.msk [tilespmem:v28+s17+$0x0], $0xffff;
	v28 =	vadd.f32 v33, v32;
	v29 =	vmul.f32 v31, v29;
	v27 =	vadd.f32 v13, v32  }
0x1be: {  	s6 =	simm.s32 $0x2;
	v26 =	vmul.f32 v30, v26;
	v24 =	vor.u32 v4, v17;
	v13 =	vld.idx.msk [tilespmem:v22+s16+$0x0], $0xffff  }
.LBB2_19:
0x1bf: {  	p0 =	sne.s32 s6, $0xF;
	v30 =	vld.idx.msk [tilespmem:v22+s17+$0x0], $0xffff;
	v22 =	vadd.f32 v29, v28;
	v25 =	vadd.f32 v25, v27;
	v18 =	vmul.f32 v20, v18  }
0x1c0: {  	v20 =	vor.u32 v10, v17;
	v9 =	vmul.f32 v9, v3;
	v27 =	vld.idx.msk [tilespmem:v23+s16+$0x0], $0xffff  }
0x1c1: {  	v16 =	vmul.f32 v19, v16;
	v28 =	vld.idx.msk [tilespmem:v23+s17+$0x0], $0xffff;
	v18 =	vadd.f32 v18, v22;
	v22 =	vadd.f32 v26, v25  }
0x1c2: {  	v3 =	vmov v15;
	v19 =	vld.idx.msk [tilespmem:v21+s16+$0x0], $0xffff  }
0x1c3: {  	v15 =	vld.idx.msk [tilespmem:v21+s17+$0x0], $0xffff;
	v21 =	vor.u32 v11, v17;
	v26 =	vadd.f32 v16, v18;
	v29 =	vadd.f32 v9, v22  }
0x1c4: {  	v9 =	vmov v14;
	v25 =	vld.idx.msk [tilespmem:v24+s16+$0x0], $0xffff  }
0x1c5: {  	v17 =	vor.u32 v12, v17;
	v14 =	vld.idx.msk [tilespmem:v24+s17+$0x0], $0xffff  }
0x1c6: {  	v24 =	vadd.s32 s6, v0;
	v31 =	vld.idx.msk [tilespmem:v20+s16+$0x0], $0xffff  }
0x1c7: {  	v32 =	vor.u32 v5, v24;
	v33 =	vld.idx.msk [tilespmem:v20+s17+$0x0], $0xffff  }
0x1c8: {  	v18 =	vld.idx.msk [tilespmem:v21+s16+$0x0], $0xffff  }
0x1c9: {  	v22 =	vor.u32 v6, v24;
	v20 =	vld.idx.msk [tilespmem:v21+s17+$0x0], $0xffff  }
.Ltmp8:
0x1ca: {  	v16 =	vld.idx.msk [tilespmem:v17+s16+$0x0], $0xffff;
	(pc) =	sbr.rel @p0 .LBB2_19-.Ltmp8, $4  }
0x1cb: {  	v23 =	vor.u32 v7, v24;
	v35 =	vmul.f32 v15, v19;
	v34 =	vmul.f32 v14, v25;
	v19 =	vld.idx.msk [tilespmem:v17+s17+$0x0], $0xffff  }
0x1cc: {  	v21 =	vor.u32 v8, v24;
	v25 =	vmul.f32 v28, v27;
	v17 =	vand.u32 $0xF, v24;
	v15 =	vld.idx.msk [tilespmem:v32+s16+$0x0], $0xffff  }
0x1cd: {  	v27 =	vadd.f32 v35, v29;
	v28 =	vadd.f32 v34, v26;
	v29 =	vmul.f32 v33, v31;
	v14 =	vld.idx.msk [tilespmem:v32+s17+$0x0], $0xffff  }
0x1ce: {  	s6 =	sadd.s32 $0x1, s6;
	v24 =	vor.u32 v4, v17;
	v26 =	vmul.f32 v30, v13;
	v13 =	vld.idx.msk [tilespmem:v22+s16+$0x0], $0xffff  }
0x1cf: {  	_ =	sdelay $0x3  }
0x1d0: {  	v4 =	vld.idx.msk [tilespmem:v22+s17+$0x0], $0xffff  }
0x1d1: {  	v5 =	vld.idx.msk [tilespmem:v23+s16+$0x0], $0xffff  }
0x1d2: {  	v6 =	vor.u32 v10, v17;
	v7 =	vld.idx.msk [tilespmem:v23+s17+$0x0], $0xffff  }
0x1d3: {  	v8 =	vld.idx.msk [tilespmem:v21+s16+$0x0], $0xffff  }
0x1d4: {  	v46 =	vld.idx.msk [tilespmem:v21+s17+$0x0], $0xffff;
	v11 =	vor.u32 v11, v17  }
0x1d5: {  	v47 =	vld.idx.msk [tilespmem:v24+s16+$0x0], $0xffff  }
0x1d6: {  	v48 =	vadd.f32 v29, v28;
	v18 =	vmul.f32 v20, v18;
	v12 =	vor.u32 v12, v17;
	v49 =	vld.idx.msk [tilespmem:v24+s17+$0x0], $0xffff  }
0x1d7: {  	v50 =	vadd.f32 v25, v27;
	v51 =	vld.idx.msk [tilespmem:v6+s16+$0x0], $0xffff  }
0x1d8: {  	v16 =	vmul.f32 v19, v16;
	v18 =	vadd.f32 v18, v48;
	v6 =	vld.idx.msk [tilespmem:v6+s17+$0x0], $0xffff  }
0x1d9: {  	v3 =	vmul.f32 v9, v3;
	v52 =	vadd.f32 v26, v50;
	v53 =	vld.idx.msk [tilespmem:v11+s16+$0x0], $0xffff  }
0x1da: {  	v16 =	vadd.f32 v16, v18;
	v11 =	vld.idx.msk [tilespmem:v11+s17+$0x0], $0xffff  }
0x1db: {  	v3 =	vadd.f32 v3, v52;
	v54 =	vld.idx.msk [tilespmem:v12+s16+$0x0], $0xffff;
	v17 =	vmul.f32 v49, v47;
	v8 =	vmul.f32 v46, v8  }
0x1dc: {  	v55 =	vld.idx.msk [tilespmem:v12+s17+$0x0], $0xffff;
	v5 =	vmul.f32 v7, v5  }
0x1dd: {  	v56 =	vadd.f32 v17, v16;
	v3 =	vadd.f32 v8, v3;
	v6 =	vmul.f32 v6, v51  }
0x1de: {  	v4 =	vmul.f32 v4, v13  }
0x1df: {  	v3 =	vadd.f32 v5, v3;
	v57 =	vmul.f32 v11, v53;
	v6 =	vadd.f32 v6, v56  }
0x1e0: {  	v58 =	vmul.f32 v14, v15  }
0x1e1: {  	v59 =	vmul.f32 v55, v54;
	v3 =	vadd.f32 v4, v3;
	v5 =	vadd.f32 v57, v6  }
0x1e2: {  	v60 =	vld [tilespmem:s4+$0x10900]  }
0x1e3: {  	v3 =	vadd.f32 v58, v3;
	v4 =	vadd.f32 v59, v5  }
0x1e4: {  	v61 =	vld [tilespmem:s4+$0x10B00]  }
0x1e5: {  	v3 =	vadd.f32 v3, v4  }
0x1e6: {  	v62 =	vld [tilespmem:s4+$0x500]  }
0x1e7: {  	v3 =	vadd.f32 v60, v3  }
0x1e8: {  	v63 =	vld [tilespmem:s4+$0x700]  }
0x1e9: {  	v3 =	vadd.f32 v61, v3;
	_ =	sdelay $0x1  }
0x1ea: {  	s3 =	sadd.s32 $0x1, s3;
	v3 =	vsub.f32 v3, v62  }
0x1eb: {  	p0 =	sne.s32 s3, $0x4  }
.Ltmp9:
0x1ec: {  	v4 =	vmul.f32 v3, v63;
	(pc) =	sbr.rel @p0 .LBB2_18-.Ltmp9, $3  }
0x1ed: {  	_ = 	snop  }
0x1ee: {  	v3 =	vmul.f32 v4, v3;
	_ =	sdelay $0x1  }
0x1ef: {  	v2 =	vadd.f32 v3, v2  }
0x1f0: {  	_ =	swait.ge [sflag:s28], $0x2000  }
0x1f1: {  	[sflag:s28] =	ssyncset.done $0x0  }
0x1f2: {  	[sflag:s28] =	ssyncadd.s32 $0xFFFFE000  }
0x1f3: {  	_ =	swait.ge [sflag:s28], $0x2000  }
0x1f4: {  	[sflag:s28] =	ssyncset.done $0x0  }
0x1f5: {  	s31 =	simm.s32 $0x0;
	s3 =	simm.s32 $0x0;
	[sflag:s28] =	ssyncadd.s32 $0xFFFFE000  }
.LBB2_22:
0x1f6: {  	s4 =	sshll.u32 s3, $0x4  }
0x1f7: {  	v3 =	vmov s4  }
0x1f8: {  	v10 =	vadd.s32 s31, v0;
	v3 =	vshll.u32 v3, $0x7  }
0x1f9: {  	v14 =	vand.u32 $0xF, v10;
	v4 =	vor.u32 v1, v3  }
0x1fa: {  	v15 =	vor.u32 v4, v14  }
0x1fb: {  	v5 =	vor.u32 $0x70, v4  }
0x1fc: {  	v9 =	vor.u32 v5, v10  }
0x1fd: {  	v6 =	vor.u32 $0x50, v4  }
0x1fe: {  	v11 =	vor.u32 v6, v10  }
0x1ff: {  	v7 =	vor.u32 $0x30, v4;
	v21 =	vld.idx.msk [tilespmem:v15+s18+$0x0], $0xffff  }
0x200: {  	v12 =	vor.u32 v7, v10;
	v15 =	vld.idx.msk [tilespmem:v15+s20+$0x0], $0xffff  }
0x201: {  	v8 =	vor.u32 $0x10, v4;
	v3 =	vld.idx.msk [tilespmem:v9+s18+$0x0], $0xffff  }
0x202: {  	v13 =	vor.u32 v8, v10;
	v9 =	vld.idx.msk [tilespmem:v9+s20+$0x0], $0xffff  }
0x203: {  	v10 =	vor.u32 $0x20, v4;
	v26 =	vld.idx.msk [tilespmem:v11+s18+$0x0], $0xffff  }
0x204: {  	s6 =	simm.s32 $0x1;
	v16 =	vor.u32 v10, v14;
	v30 =	vld.idx.msk [tilespmem:v11+s20+$0x0], $0xffff  }
0x205: {  	v27 =	vadd.s32 s6, v0;
	v24 =	vld.idx.msk [tilespmem:v12+s18+$0x0], $0xffff  }
0x206: {  	v28 =	vor.u32 v5, v27;
	v25 =	vld.idx.msk [tilespmem:v12+s20+$0x0], $0xffff;
	v11 =	vor.u32 $0x40, v4  }
0x207: {  	v17 =	vld.idx.msk [tilespmem:v13+s18+$0x0], $0xffff;
	v19 =	vor.u32 v11, v14  }
0x208: {  	v13 =	vld.idx.msk [tilespmem:v13+s20+$0x0], $0xffff;
	v12 =	vor.u32 $0x60, v4  }
0x209: {  	v14 =	vor.u32 v12, v14;
	v29 =	vld.idx.msk [tilespmem:v16+s18+$0x0], $0xffff  }
0x20a: {  	v31 =	vld.idx.msk [tilespmem:v16+s20+$0x0], $0xffff  }
0x20b: {  	v33 =	vmul.f32 v15, v21;
	v15 =	vld.idx.msk [tilespmem:v28+s18+$0x0], $0xffff  }
0x20c: {  	v22 =	vor.u32 v6, v27;
	v18 =	vld.idx.msk [tilespmem:v19+s18+$0x0], $0xffff  }
0x20d: {  	v20 =	vld.idx.msk [tilespmem:v19+s20+$0x0], $0xffff  }
0x20e: {  	v32 =	vimm.f32 $0.0e+00;
	v23 =	vor.u32 v7, v27;
	v13 =	vmul.f32 v13, v17;
	v16 =	vld.idx.msk [tilespmem:v14+s18+$0x0], $0xffff  }
0x20f: {  	v21 =	vor.u32 v8, v27;
	v17 =	vand.u32 $0xF, v27;
	v25 =	vmul.f32 v25, v24;
	v19 =	vld.idx.msk [tilespmem:v14+s20+$0x0], $0xffff  }
0x210: {  	v14 =	vld.idx.msk [tilespmem:v28+s20+$0x0], $0xffff;
	v28 =	vadd.f32 v33, v32;
	v29 =	vmul.f32 v31, v29;
	v27 =	vadd.f32 v13, v32  }
0x211: {  	s6 =	simm.s32 $0x2;
	v26 =	vmul.f32 v30, v26;
	v24 =	vor.u32 v4, v17;
	v13 =	vld.idx.msk [tilespmem:v22+s18+$0x0], $0xffff  }
.LBB2_23:
0x212: {  	p0 =	sne.s32 s6, $0xF;
	v30 =	vld.idx.msk [tilespmem:v22+s20+$0x0], $0xffff;
	v22 =	vadd.f32 v29, v28;
	v25 =	vadd.f32 v25, v27;
	v18 =	vmul.f32 v20, v18  }
0x213: {  	v20 =	vor.u32 v10, v17;
	v9 =	vmul.f32 v9, v3;
	v27 =	vld.idx.msk [tilespmem:v23+s18+$0x0], $0xffff  }
0x214: {  	v16 =	vmul.f32 v19, v16;
	v28 =	vld.idx.msk [tilespmem:v23+s20+$0x0], $0xffff;
	v18 =	vadd.f32 v18, v22;
	v22 =	vadd.f32 v26, v25  }
0x215: {  	v3 =	vmov v15;
	v19 =	vld.idx.msk [tilespmem:v21+s18+$0x0], $0xffff  }
0x216: {  	v15 =	vld.idx.msk [tilespmem:v21+s20+$0x0], $0xffff;
	v21 =	vor.u32 v11, v17;
	v26 =	vadd.f32 v16, v18;
	v29 =	vadd.f32 v9, v22  }
0x217: {  	v9 =	vmov v14;
	v25 =	vld.idx.msk [tilespmem:v24+s18+$0x0], $0xffff  }
0x218: {  	v17 =	vor.u32 v12, v17;
	v14 =	vld.idx.msk [tilespmem:v24+s20+$0x0], $0xffff  }
0x219: {  	v24 =	vadd.s32 s6, v0;
	v31 =	vld.idx.msk [tilespmem:v20+s18+$0x0], $0xffff  }
0x21a: {  	v32 =	vor.u32 v5, v24;
	v33 =	vld.idx.msk [tilespmem:v20+s20+$0x0], $0xffff  }
0x21b: {  	v18 =	vld.idx.msk [tilespmem:v21+s18+$0x0], $0xffff  }
0x21c: {  	v22 =	vor.u32 v6, v24;
	v20 =	vld.idx.msk [tilespmem:v21+s20+$0x0], $0xffff  }
.Ltmp10:
0x21d: {  	v16 =	vld.idx.msk [tilespmem:v17+s18+$0x0], $0xffff;
	(pc) =	sbr.rel @p0 .LBB2_23-.Ltmp10, $4  }
0x21e: {  	v23 =	vor.u32 v7, v24;
	v35 =	vmul.f32 v15, v19;
	v34 =	vmul.f32 v14, v25;
	v19 =	vld.idx.msk [tilespmem:v17+s20+$0x0], $0xffff  }
0x21f: {  	v21 =	vor.u32 v8, v24;
	v25 =	vmul.f32 v28, v27;
	v17 =	vand.u32 $0xF, v24;
	v15 =	vld.idx.msk [tilespmem:v32+s18+$0x0], $0xffff  }
0x220: {  	v27 =	vadd.f32 v35, v29;
	v28 =	vadd.f32 v34, v26;
	v29 =	vmul.f32 v33, v31;
	v14 =	vld.idx.msk [tilespmem:v32+s20+$0x0], $0xffff  }
0x221: {  	s6 =	sadd.s32 $0x1, s6;
	v24 =	vor.u32 v4, v17;
	v26 =	vmul.f32 v30, v13;
	v13 =	vld.idx.msk [tilespmem:v22+s18+$0x0], $0xffff  }
0x222: {  	_ =	sdelay $0x3  }
0x223: {  	v4 =	vld.idx.msk [tilespmem:v22+s20+$0x0], $0xffff  }
0x224: {  	v5 =	vld.idx.msk [tilespmem:v23+s18+$0x0], $0xffff  }
0x225: {  	v6 =	vor.u32 v10, v17;
	v7 =	vld.idx.msk [tilespmem:v23+s20+$0x0], $0xffff  }
0x226: {  	v8 =	vld.idx.msk [tilespmem:v21+s18+$0x0], $0xffff  }
0x227: {  	v46 =	vld.idx.msk [tilespmem:v21+s20+$0x0], $0xffff;
	v11 =	vor.u32 v11, v17  }
0x228: {  	v47 =	vld.idx.msk [tilespmem:v24+s18+$0x0], $0xffff  }
0x229: {  	v48 =	vadd.f32 v29, v28;
	v18 =	vmul.f32 v20, v18;
	v12 =	vor.u32 v12, v17;
	v49 =	vld.idx.msk [tilespmem:v24+s20+$0x0], $0xffff  }
0x22a: {  	v50 =	vadd.f32 v25, v27;
	v51 =	vld.idx.msk [tilespmem:v6+s18+$0x0], $0xffff  }
0x22b: {  	v16 =	vmul.f32 v19, v16;
	v18 =	vadd.f32 v18, v48;
	v6 =	vld.idx.msk [tilespmem:v6+s20+$0x0], $0xffff  }
0x22c: {  	v3 =	vmul.f32 v9, v3;
	v52 =	vadd.f32 v26, v50;
	v53 =	vld.idx.msk [tilespmem:v11+s18+$0x0], $0xffff  }
0x22d: {  	v16 =	vadd.f32 v16, v18;
	v11 =	vld.idx.msk [tilespmem:v11+s20+$0x0], $0xffff  }
0x22e: {  	v3 =	vadd.f32 v3, v52;
	v54 =	vld.idx.msk [tilespmem:v12+s18+$0x0], $0xffff;
	v17 =	vmul.f32 v49, v47;
	v8 =	vmul.f32 v46, v8  }
0x22f: {  	v55 =	vld.idx.msk [tilespmem:v12+s20+$0x0], $0xffff;
	v5 =	vmul.f32 v7, v5  }
0x230: {  	v56 =	vadd.f32 v17, v16;
	v3 =	vadd.f32 v8, v3;
	v6 =	vmul.f32 v6, v51  }
0x231: {  	v4 =	vmul.f32 v4, v13  }
0x232: {  	v3 =	vadd.f32 v5, v3;
	v57 =	vmul.f32 v11, v53;
	v6 =	vadd.f32 v6, v56  }
0x233: {  	v58 =	vmul.f32 v14, v15  }
0x234: {  	v59 =	vmul.f32 v55, v54;
	v3 =	vadd.f32 v4, v3;
	v5 =	vadd.f32 v57, v6  }
0x235: {  	v60 =	vld [tilespmem:s4+$0x10940]  }
0x236: {  	v3 =	vadd.f32 v58, v3;
	v4 =	vadd.f32 v59, v5  }
0x237: {  	v61 =	vld [tilespmem:s4+$0x10B40]  }
0x238: {  	v3 =	vadd.f32 v3, v4  }
0x239: {  	v62 =	vld [tilespmem:s4+$0x540]  }
0x23a: {  	v3 =	vadd.f32 v60, v3  }
0x23b: {  	v63 =	vld [tilespmem:s4+$0x740]  }
0x23c: {  	v3 =	vadd.f32 v61, v3;
	_ =	sdelay $0x1  }
0x23d: {  	s3 =	sadd.s32 $0x1, s3;
	v3 =	vsub.f32 v3, v62  }
0x23e: {  	p0 =	sne.s32 s3, $0x4  }
.Ltmp11:
0x23f: {  	v4 =	vmul.f32 v3, v63;
	(pc) =	sbr.rel @p0 .LBB2_22-.Ltmp11, $3  }
0x240: {  	_ = 	snop  }
0x241: {  	v3 =	vmul.f32 v4, v3;
	_ =	sdelay $0x1  }
0x242: {  	v2 =	vadd.f32 v3, v2  }
0x243: {  	_ =	swait.ge [sflag:s0], $0x2000  }
0x244: {  	[sflag:s0] =	ssyncset.done $0x0  }
0x245: {  	[sflag:s0] =	ssyncadd.s32 $0xFFFFE000  }
0x246: {  	_ =	swait.ge [sflag:s0], $0x2000  }
0x247: {  	[sflag:s0] =	ssyncset.done $0x0  }
0x248: {  	s31 =	simm.s32 $0x0;
	s3 =	simm.s32 $0x0;
	[sflag:s0] =	ssyncadd.s32 $0xFFFFE000  }
.LBB2_26:
0x249: {  	s4 =	sshll.u32 s3, $0x4  }
0x24a: {  	v3 =	vmov s4  }
0x24b: {  	v10 =	vadd.s32 s31, v0;
	v3 =	vshll.u32 v3, $0x7  }
0x24c: {  	v14 =	vand.u32 $0xF, v10;
	v4 =	vor.u32 v1, v3  }
0x24d: {  	v15 =	vor.u32 v4, v14  }
0x24e: {  	v5 =	vor.u32 $0x70, v4  }
0x24f: {  	v9 =	vor.u32 v5, v10  }
0x250: {  	v6 =	vor.u32 $0x50, v4  }
0x251: {  	v11 =	vor.u32 v6, v10  }
0x252: {  	v7 =	vor.u32 $0x30, v4;
	v21 =	vld.idx.msk [tilespmem:v15+s22+$0x0], $0xffff  }
0x253: {  	v12 =	vor.u32 v7, v10;
	v15 =	vld.idx.msk [tilespmem:v15+s24+$0x0], $0xffff  }
0x254: {  	v8 =	vor.u32 $0x10, v4;
	v3 =	vld.idx.msk [tilespmem:v9+s22+$0x0], $0xffff  }
0x255: {  	v13 =	vor.u32 v8, v10;
	v9 =	vld.idx.msk [tilespmem:v9+s24+$0x0], $0xffff  }
0x256: {  	v10 =	vor.u32 $0x20, v4;
	v26 =	vld.idx.msk [tilespmem:v11+s22+$0x0], $0xffff  }
0x257: {  	s6 =	simm.s32 $0x1;
	v16 =	vor.u32 v10, v14;
	v30 =	vld.idx.msk [tilespmem:v11+s24+$0x0], $0xffff  }
0x258: {  	v27 =	vadd.s32 s6, v0;
	v24 =	vld.idx.msk [tilespmem:v12+s22+$0x0], $0xffff  }
0x259: {  	v28 =	vor.u32 v5, v27;
	v25 =	vld.idx.msk [tilespmem:v12+s24+$0x0], $0xffff;
	v11 =	vor.u32 $0x40, v4  }
0x25a: {  	v17 =	vld.idx.msk [tilespmem:v13+s22+$0x0], $0xffff;
	v19 =	vor.u32 v11, v14  }
0x25b: {  	v13 =	vld.idx.msk [tilespmem:v13+s24+$0x0], $0xffff;
	v12 =	vor.u32 $0x60, v4  }
0x25c: {  	v14 =	vor.u32 v12, v14;
	v29 =	vld.idx.msk [tilespmem:v16+s22+$0x0], $0xffff  }
0x25d: {  	v31 =	vld.idx.msk [tilespmem:v16+s24+$0x0], $0xffff  }
0x25e: {  	v33 =	vmul.f32 v15, v21;
	v15 =	vld.idx.msk [tilespmem:v28+s22+$0x0], $0xffff  }
0x25f: {  	v22 =	vor.u32 v6, v27;
	v18 =	vld.idx.msk [tilespmem:v19+s22+$0x0], $0xffff  }
0x260: {  	v20 =	vld.idx.msk [tilespmem:v19+s24+$0x0], $0xffff  }
0x261: {  	v32 =	vimm.f32 $0.0e+00;
	v23 =	vor.u32 v7, v27;
	v13 =	vmul.f32 v13, v17;
	v16 =	vld.idx.msk [tilespmem:v14+s22+$0x0], $0xffff  }
0x262: {  	v21 =	vor.u32 v8, v27;
	v17 =	vand.u32 $0xF, v27;
	v25 =	vmul.f32 v25, v24;
	v19 =	vld.idx.msk [tilespmem:v14+s24+$0x0], $0xffff  }
0x263: {  	v14 =	vld.idx.msk [tilespmem:v28+s24+$0x0], $0xffff;
	v28 =	vadd.f32 v33, v32;
	v29 =	vmul.f32 v31, v29;
	v27 =	vadd.f32 v13, v32  }
0x264: {  	s6 =	simm.s32 $0x2;
	v26 =	vmul.f32 v30, v26;
	v24 =	vor.u32 v4, v17;
	v13 =	vld.idx.msk [tilespmem:v22+s22+$0x0], $0xffff  }
.LBB2_27:
0x265: {  	p0 =	sne.s32 s6, $0xF;
	v30 =	vld.idx.msk [tilespmem:v22+s24+$0x0], $0xffff;
	v22 =	vadd.f32 v29, v28;
	v25 =	vadd.f32 v25, v27;
	v18 =	vmul.f32 v20, v18  }
0x266: {  	v20 =	vor.u32 v10, v17;
	v9 =	vmul.f32 v9, v3;
	v27 =	vld.idx.msk [tilespmem:v23+s22+$0x0], $0xffff  }
0x267: {  	v16 =	vmul.f32 v19, v16;
	v28 =	vld.idx.msk [tilespmem:v23+s24+$0x0], $0xffff;
	v18 =	vadd.f32 v18, v22;
	v22 =	vadd.f32 v26, v25  }
0x268: {  	v3 =	vmov v15;
	v19 =	vld.idx.msk [tilespmem:v21+s22+$0x0], $0xffff  }
0x269: {  	v15 =	vld.idx.msk [tilespmem:v21+s24+$0x0], $0xffff;
	v21 =	vor.u32 v11, v17;
	v26 =	vadd.f32 v16, v18;
	v29 =	vadd.f32 v9, v22  }
0x26a: {  	v9 =	vmov v14;
	v25 =	vld.idx.msk [tilespmem:v24+s22+$0x0], $0xffff  }
0x26b: {  	v17 =	vor.u32 v12, v17;
	v14 =	vld.idx.msk [tilespmem:v24+s24+$0x0], $0xffff  }
0x26c: {  	v24 =	vadd.s32 s6, v0;
	v31 =	vld.idx.msk [tilespmem:v20+s22+$0x0], $0xffff  }
0x26d: {  	v32 =	vor.u32 v5, v24;
	v33 =	vld.idx.msk [tilespmem:v20+s24+$0x0], $0xffff  }
0x26e: {  	v18 =	vld.idx.msk [tilespmem:v21+s22+$0x0], $0xffff  }
0x26f: {  	v22 =	vor.u32 v6, v24;
	v20 =	vld.idx.msk [tilespmem:v21+s24+$0x0], $0xffff  }
.Ltmp12:
0x270: {  	v16 =	vld.idx.msk [tilespmem:v17+s22+$0x0], $0xffff;
	(pc) =	sbr.rel @p0 .LBB2_27-.Ltmp12, $4  }
0x271: {  	v23 =	vor.u32 v7, v24;
	v35 =	vmul.f32 v15, v19;
	v34 =	vmul.f32 v14, v25;
	v19 =	vld.idx.msk [tilespmem:v17+s24+$0x0], $0xffff  }
0x272: {  	v21 =	vor.u32 v8, v24;
	v25 =	vmul.f32 v28, v27;
	v17 =	vand.u32 $0xF, v24;
	v15 =	vld.idx.msk [tilespmem:v32+s22+$0x0], $0xffff  }
0x273: {  	v27 =	vadd.f32 v35, v29;
	v28 =	vadd.f32 v34, v26;
	v29 =	vmul.f32 v33, v31;
	v14 =	vld.idx.msk [tilespmem:v32+s24+$0x0], $0xffff  }
0x274: {  	s6 =	sadd.s32 $0x1, s6;
	v24 =	vor.u32 v4, v17;
	v26 =	vmul.f32 v30, v13;
	v13 =	vld.idx.msk [tilespmem:v22+s22+$0x0], $0xffff  }
0x275: {  	_ =	sdelay $0x3  }
0x276: {  	v4 =	vld.idx.msk [tilespmem:v22+s24+$0x0], $0xffff  }
0x277: {  	v5 =	vld.idx.msk [tilespmem:v23+s22+$0x0], $0xffff  }
0x278: {  	v6 =	vor.u32 v10, v17;
	v7 =	vld.idx.msk [tilespmem:v23+s24+$0x0], $0xffff  }
0x279: {  	v8 =	vld.idx.msk [tilespmem:v21+s22+$0x0], $0xffff  }
0x27a: {  	v46 =	vld.idx.msk [tilespmem:v21+s24+$0x0], $0xffff;
	v11 =	vor.u32 v11, v17  }
0x27b: {  	v47 =	vld.idx.msk [tilespmem:v24+s22+$0x0], $0xffff  }
0x27c: {  	v48 =	vadd.f32 v29, v28;
	v18 =	vmul.f32 v20, v18;
	v12 =	vor.u32 v12, v17;
	v49 =	vld.idx.msk [tilespmem:v24+s24+$0x0], $0xffff  }
0x27d: {  	v50 =	vadd.f32 v25, v27;
	v51 =	vld.idx.msk [tilespmem:v6+s22+$0x0], $0xffff  }
0x27e: {  	v16 =	vmul.f32 v19, v16;
	v18 =	vadd.f32 v18, v48;
	v6 =	vld.idx.msk [tilespmem:v6+s24+$0x0], $0xffff  }
0x27f: {  	v3 =	vmul.f32 v9, v3;
	v52 =	vadd.f32 v26, v50;
	v53 =	vld.idx.msk [tilespmem:v11+s22+$0x0], $0xffff  }
0x280: {  	v16 =	vadd.f32 v16, v18;
	v11 =	vld.idx.msk [tilespmem:v11+s24+$0x0], $0xffff  }
0x281: {  	v3 =	vadd.f32 v3, v52;
	v54 =	vld.idx.msk [tilespmem:v12+s22+$0x0], $0xffff;
	v17 =	vmul.f32 v49, v47;
	v8 =	vmul.f32 v46, v8  }
0x282: {  	v55 =	vld.idx.msk [tilespmem:v12+s24+$0x0], $0xffff;
	v5 =	vmul.f32 v7, v5  }
0x283: {  	v56 =	vadd.f32 v17, v16;
	v3 =	vadd.f32 v8, v3;
	v6 =	vmul.f32 v6, v51  }
0x284: {  	v4 =	vmul.f32 v4, v13  }
0x285: {  	v3 =	vadd.f32 v5, v3;
	v57 =	vmul.f32 v11, v53;
	v6 =	vadd.f32 v6, v56  }
0x286: {  	v58 =	vmul.f32 v14, v15  }
0x287: {  	v59 =	vmul.f32 v55, v54;
	v3 =	vadd.f32 v4, v3;
	v5 =	vadd.f32 v57, v6  }
0x288: {  	v60 =	vld [tilespmem:s4+$0x10980]  }
0x289: {  	v3 =	vadd.f32 v58, v3;
	v4 =	vadd.f32 v59, v5  }
0x28a: {  	v61 =	vld [tilespmem:s4+$0x10B80]  }
0x28b: {  	v3 =	vadd.f32 v3, v4  }
0x28c: {  	v62 =	vld [tilespmem:s4+$0x580]  }
0x28d: {  	v3 =	vadd.f32 v60, v3  }
0x28e: {  	v63 =	vld [tilespmem:s4+$0x780]  }
0x28f: {  	v3 =	vadd.f32 v61, v3;
	_ =	sdelay $0x1  }
0x290: {  	s3 =	sadd.s32 $0x1, s3;
	v3 =	vsub.f32 v3, v62  }
0x291: {  	p0 =	sne.s32 s3, $0x4  }
.Ltmp13:
0x292: {  	v4 =	vmul.f32 v3, v63;
	(pc) =	sbr.rel @p0 .LBB2_26-.Ltmp13, $3  }
0x293: {  	_ = 	snop  }
0x294: {  	v3 =	vmul.f32 v4, v3;
	_ =	sdelay $0x1  }
0x295: {  	v2 =	vadd.f32 v3, v2  }
0x296: {  	_ =	swait.ge [sflag:s25], $0x2000  }
0x297: {  	[sflag:s25] =	ssyncset.done $0x0  }
0x298: {  	[sflag:s25] =	ssyncadd.s32 $0xFFFFE000  }
0x299: {  	_ =	swait.ge [sflag:s25], $0x2000  }
0x29a: {  	[sflag:s25] =	ssyncset.done $0x0  }
0x29b: {  	s31 =	simm.s32 $0x0;
	s3 =	simm.s32 $0x0;
	[sflag:s25] =	ssyncadd.s32 $0xFFFFE000  }
.LBB2_30:
0x29c: {  	s4 =	sshll.u32 s3, $0x4  }
0x29d: {  	v3 =	vmov s4  }
0x29e: {  	v10 =	vadd.s32 s31, v0;
	v3 =	vshll.u32 v3, $0x7  }
0x29f: {  	v14 =	vand.u32 $0xF, v10;
	v4 =	vor.u32 v1, v3  }
0x2a0: {  	v15 =	vor.u32 v4, v14  }
0x2a1: {  	v5 =	vor.u32 $0x70, v4  }
0x2a2: {  	v9 =	vor.u32 v5, v10  }
0x2a3: {  	v6 =	vor.u32 $0x50, v4  }
0x2a4: {  	v11 =	vor.u32 v6, v10  }
0x2a5: {  	v7 =	vor.u32 $0x30, v4;
	v21 =	vld.idx.msk [tilespmem:v15+s26+$0x0], $0xffff  }
0x2a6: {  	v12 =	vor.u32 v7, v10;
	v15 =	vld.idx.msk [tilespmem:v15+s29+$0x0], $0xffff  }
0x2a7: {  	v8 =	vor.u32 $0x10, v4;
	v3 =	vld.idx.msk [tilespmem:v9+s26+$0x0], $0xffff  }
0x2a8: {  	v13 =	vor.u32 v8, v10;
	v9 =	vld.idx.msk [tilespmem:v9+s29+$0x0], $0xffff  }
0x2a9: {  	v10 =	vor.u32 $0x20, v4;
	v26 =	vld.idx.msk [tilespmem:v11+s26+$0x0], $0xffff  }
0x2aa: {  	s6 =	simm.s32 $0x1;
	v16 =	vor.u32 v10, v14;
	v30 =	vld.idx.msk [tilespmem:v11+s29+$0x0], $0xffff  }
0x2ab: {  	v27 =	vadd.s32 s6, v0;
	v24 =	vld.idx.msk [tilespmem:v12+s26+$0x0], $0xffff  }
0x2ac: {  	v28 =	vor.u32 v5, v27;
	v25 =	vld.idx.msk [tilespmem:v12+s29+$0x0], $0xffff;
	v11 =	vor.u32 $0x40, v4  }
0x2ad: {  	v17 =	vld.idx.msk [tilespmem:v13+s26+$0x0], $0xffff;
	v19 =	vor.u32 v11, v14  }
0x2ae: {  	v13 =	vld.idx.msk [tilespmem:v13+s29+$0x0], $0xffff;
	v12 =	vor.u32 $0x60, v4  }
0x2af: {  	v14 =	vor.u32 v12, v14;
	v29 =	vld.idx.msk [tilespmem:v16+s26+$0x0], $0xffff  }
0x2b0: {  	v31 =	vld.idx.msk [tilespmem:v16+s29+$0x0], $0xffff  }
0x2b1: {  	v33 =	vmul.f32 v15, v21;
	v15 =	vld.idx.msk [tilespmem:v28+s26+$0x0], $0xffff  }
0x2b2: {  	v22 =	vor.u32 v6, v27;
	v18 =	vld.idx.msk [tilespmem:v19+s26+$0x0], $0xffff  }
0x2b3: {  	v20 =	vld.idx.msk [tilespmem:v19+s29+$0x0], $0xffff  }
0x2b4: {  	v32 =	vimm.f32 $0.0e+00;
	v23 =	vor.u32 v7, v27;
	v13 =	vmul.f32 v13, v17;
	v16 =	vld.idx.msk [tilespmem:v14+s26+$0x0], $0xffff  }
0x2b5: {  	v21 =	vor.u32 v8, v27;
	v17 =	vand.u32 $0xF, v27;
	v25 =	vmul.f32 v25, v24;
	v19 =	vld.idx.msk [tilespmem:v14+s29+$0x0], $0xffff  }
0x2b6: {  	v14 =	vld.idx.msk [tilespmem:v28+s29+$0x0], $0xffff;
	v28 =	vadd.f32 v33, v32;
	v29 =	vmul.f32 v31, v29;
	v27 =	vadd.f32 v13, v32  }
0x2b7: {  	s6 =	simm.s32 $0x2;
	v26 =	vmul.f32 v30, v26;
	v24 =	vor.u32 v4, v17;
	v13 =	vld.idx.msk [tilespmem:v22+s26+$0x0], $0xffff  }
.LBB2_31:
0x2b8: {  	p0 =	sne.s32 s6, $0xF;
	v30 =	vld.idx.msk [tilespmem:v22+s29+$0x0], $0xffff;
	v22 =	vadd.f32 v29, v28;
	v25 =	vadd.f32 v25, v27;
	v18 =	vmul.f32 v20, v18  }
0x2b9: {  	v20 =	vor.u32 v10, v17;
	v9 =	vmul.f32 v9, v3;
	v27 =	vld.idx.msk [tilespmem:v23+s26+$0x0], $0xffff  }
0x2ba: {  	v16 =	vmul.f32 v19, v16;
	v28 =	vld.idx.msk [tilespmem:v23+s29+$0x0], $0xffff;
	v18 =	vadd.f32 v18, v22;
	v22 =	vadd.f32 v26, v25  }
0x2bb: {  	v3 =	vmov v15;
	v19 =	vld.idx.msk [tilespmem:v21+s26+$0x0], $0xffff  }
0x2bc: {  	v15 =	vld.idx.msk [tilespmem:v21+s29+$0x0], $0xffff;
	v21 =	vor.u32 v11, v17;
	v26 =	vadd.f32 v16, v18;
	v29 =	vadd.f32 v9, v22  }
0x2bd: {  	v9 =	vmov v14;
	v25 =	vld.idx.msk [tilespmem:v24+s26+$0x0], $0xffff  }
0x2be: {  	v17 =	vor.u32 v12, v17;
	v14 =	vld.idx.msk [tilespmem:v24+s29+$0x0], $0xffff  }
0x2bf: {  	v24 =	vadd.s32 s6, v0;
	v31 =	vld.idx.msk [tilespmem:v20+s26+$0x0], $0xffff  }
0x2c0: {  	v32 =	vor.u32 v5, v24;
	v33 =	vld.idx.msk [tilespmem:v20+s29+$0x0], $0xffff  }
0x2c1: {  	v18 =	vld.idx.msk [tilespmem:v21+s26+$0x0], $0xffff  }
0x2c2: {  	v22 =	vor.u32 v6, v24;
	v20 =	vld.idx.msk [tilespmem:v21+s29+$0x0], $0xffff  }
.Ltmp14:
0x2c3: {  	v16 =	vld.idx.msk [tilespmem:v17+s26+$0x0], $0xffff;
	(pc) =	sbr.rel @p0 .LBB2_31-.Ltmp14, $4  }
0x2c4: {  	v23 =	vor.u32 v7, v24;
	v35 =	vmul.f32 v15, v19;
	v34 =	vmul.f32 v14, v25;
	v19 =	vld.idx.msk [tilespmem:v17+s29+$0x0], $0xffff  }
0x2c5: {  	v21 =	vor.u32 v8, v24;
	v25 =	vmul.f32 v28, v27;
	v17 =	vand.u32 $0xF, v24;
	v15 =	vld.idx.msk [tilespmem:v32+s26+$0x0], $0xffff  }
0x2c6: {  	v27 =	vadd.f32 v35, v29;
	v28 =	vadd.f32 v34, v26;
	v29 =	vmul.f32 v33, v31;
	v14 =	vld.idx.msk [tilespmem:v32+s29+$0x0], $0xffff  }
0x2c7: {  	s6 =	sadd.s32 $0x1, s6;
	v24 =	vor.u32 v4, v17;
	v26 =	vmul.f32 v30, v13;
	v13 =	vld.idx.msk [tilespmem:v22+s26+$0x0], $0xffff  }
0x2c8: {  	_ =	sdelay $0x3  }
0x2c9: {  	v4 =	vld.idx.msk [tilespmem:v22+s29+$0x0], $0xffff  }
0x2ca: {  	v5 =	vld.idx.msk [tilespmem:v23+s26+$0x0], $0xffff  }
0x2cb: {  	v6 =	vor.u32 v10, v17;
	v7 =	vld.idx.msk [tilespmem:v23+s29+$0x0], $0xffff  }
0x2cc: {  	v8 =	vld.idx.msk [tilespmem:v21+s26+$0x0], $0xffff  }
0x2cd: {  	v46 =	vld.idx.msk [tilespmem:v21+s29+$0x0], $0xffff;
	v11 =	vor.u32 v11, v17  }
0x2ce: {  	v47 =	vld.idx.msk [tilespmem:v24+s26+$0x0], $0xffff  }
0x2cf: {  	v48 =	vadd.f32 v29, v28;
	v18 =	vmul.f32 v20, v18;
	v12 =	vor.u32 v12, v17;
	v49 =	vld.idx.msk [tilespmem:v24+s29+$0x0], $0xffff  }
0x2d0: {  	v50 =	vadd.f32 v25, v27;
	v51 =	vld.idx.msk [tilespmem:v6+s26+$0x0], $0xffff  }
0x2d1: {  	v16 =	vmul.f32 v19, v16;
	v18 =	vadd.f32 v18, v48;
	v6 =	vld.idx.msk [tilespmem:v6+s29+$0x0], $0xffff  }
0x2d2: {  	v3 =	vmul.f32 v9, v3;
	v52 =	vadd.f32 v26, v50;
	v53 =	vld.idx.msk [tilespmem:v11+s26+$0x0], $0xffff  }
0x2d3: {  	v16 =	vadd.f32 v16, v18;
	v11 =	vld.idx.msk [tilespmem:v11+s29+$0x0], $0xffff  }
0x2d4: {  	v3 =	vadd.f32 v3, v52;
	v54 =	vld.idx.msk [tilespmem:v12+s26+$0x0], $0xffff;
	v17 =	vmul.f32 v49, v47;
	v8 =	vmul.f32 v46, v8  }
0x2d5: {  	v55 =	vld.idx.msk [tilespmem:v12+s29+$0x0], $0xffff;
	v5 =	vmul.f32 v7, v5  }
0x2d6: {  	v56 =	vadd.f32 v17, v16;
	v3 =	vadd.f32 v8, v3;
	v6 =	vmul.f32 v6, v51  }
0x2d7: {  	v4 =	vmul.f32 v4, v13  }
0x2d8: {  	v3 =	vadd.f32 v5, v3;
	v57 =	vmul.f32 v11, v53;
	v6 =	vadd.f32 v6, v56  }
0x2d9: {  	v58 =	vmul.f32 v14, v15  }
0x2da: {  	v59 =	vmul.f32 v55, v54;
	v3 =	vadd.f32 v4, v3;
	v5 =	vadd.f32 v57, v6  }
0x2db: {  	v60 =	vld [tilespmem:s4+$0x109C0]  }
0x2dc: {  	v3 =	vadd.f32 v58, v3;
	v4 =	vadd.f32 v59, v5  }
0x2dd: {  	v61 =	vld [tilespmem:s4+$0x10BC0]  }
0x2de: {  	v3 =	vadd.f32 v3, v4  }
0x2df: {  	v62 =	vld [tilespmem:s4+$0x5C0]  }
0x2e0: {  	v3 =	vadd.f32 v60, v3  }
0x2e1: {  	v63 =	vld [tilespmem:s4+$0x7C0]  }
0x2e2: {  	v3 =	vadd.f32 v61, v3;
	_ =	sdelay $0x1  }
0x2e3: {  	s3 =	sadd.s32 $0x1, s3;
	v3 =	vsub.f32 v3, v62  }
0x2e4: {  	p0 =	sne.s32 s3, $0x4  }
.Ltmp15:
0x2e5: {  	v4 =	vmul.f32 v3, v63;
	(pc) =	sbr.rel @p0 .LBB2_30-.Ltmp15, $3  }
0x2e6: {  	_ = 	snop  }
0x2e7: {  	v3 =	vmul.f32 v4, v3;
	_ =	sdelay $0x1  }
0x2e8: {  	v2 =	vadd.f32 v3, v2  }
0x2e9: {  	s30 =	sadd.s32 $0x1, s30  }
0x2ea: {  	p0 =	sne.s32 s30, s12  }
.Ltmp16:
0x2eb: {  	s3 =	simm.s32 $0x10C00;
	[tilespmem:$0x10C00] =	vst v2;
	(pc) =	sbr.rel @p0 .LBB2_1-.Ltmp16, $4  }
0x2ec: {  	[hbm4b:s11+s5] =	stream.linear.scatter [tilespmem:s3], [sflag:$0x7], $0x80, $0x38;
	[tilespmem:$0x10C80] =	vst v63  }
0x2ed: {  	_ =	swait.ge [sflag:s23], $0x80  }
0x2ee: {  	[sflag:s23] =	ssyncset.done $0x0  }
0x2ef: {  	[sflag:s23] =	ssyncadd.s32 $0xFFFFFF80  }
0x2f0: {  	_ =	sfence.sel $0x180000  }
0x2f1: {  	[bflag:$0x0] =	sbarrier.arrive $0xFFFF  }
0x2f2: {  	_ =	strace $0x90000047  }
0x2f3: {  	s0 =	stileid.u32;
	[bflag:$0x2] =	sbarrier.arrive $0xFFFF  }
0x2f4: {  	p0 =	sne.s32 s0, $0x0;
	s0 =	rddreg [dreg:$0x7]  }
0x2f5: {  	s0 =	sadd.s32 @!p0 $0x100000, s0  }
0x2f6: {  	[sflag:s0] =	ssyncadd.tile.s32 @!p0 $0x1;
	_ =	shalt  }
.Lfunc_end2:
_tile_overlayer_lowered:
.L_overlay_start_2:
0x2f7: {  	(tag) =	ssettag $0x2  }
0x2f8: {  	s0 =	rddreg [dreg:$0x0];
	s2 =	stileid.u32  }
0x2f9: {  	s1 =	rddreg [dreg:$0x1];
	p0 =	sne.s32 s2, $0x0  }
0x2fa: {  	s3 =	rddreg [dreg:$0x2];
	[bflag:$0x3] =	sbarrier.arrive $0xFFFF;
	s2 =	simm.s32 @!p0 $0x1C07  }
0x2fb: {  	[timem:s3], [sflag:s2] =	dma.local @!p0 [hbm:s0], s1  }
0x2fc: {  	s0 =	simm.s32 @!p0 $0x7  }
0x2fd: {  	_ =	swait.ge @!p0 [sflag:s0], s1  }
0x2fe: {  	s1 =	ssub.s32 @!p0 $0x0, s1;
	[sflag:s0] =	ssyncset.done @!p0 $0x0  }
0x2ff: {  	[sflag:s0] =	ssyncadd.s32 @!p0 s1  }
0x300: {  	[bflag:$0x3] =	sbarrier.arrive $0xFFFF  }
0x301: {  	_ =	shalt  }

</sc_bundles>
